<compile_context>
chip_gen: v7x
topology: tpu7x:2x2x1
jax: 0.10.2.dev20260603
libtpu: 0.0.44.dev20260713+nightly
codegen_flags: <defaults>
</compile_context>

<pallas_src>
import jax
import jax.numpy as jnp
from jax import lax
from jax.experimental import pallas as pl
from jax.experimental.pallas import tpu as pltpu
from jax.experimental.pallas import tpu_sc as plsc

B, S = 8, 576
N = B * S
IN_DIM, HID, K_DIM, Z_DIM = 768, 2048, 1024, 64
M_BLK = 512
M_DEC = 512
KC = 128
NKC = K_DIM // KC

NC, NS = 2, 16
NW = NC * NS
B_TOT = 2 * N
B_PER_W = N // NW
GC = 72
NGC = B_PER_W // GC

F32 = jnp.float32
_DEF = jax.lax.Precision.DEFAULT
_HI = jax.lax.Precision.HIGHEST


def _enc_block(x_ref, w1_ref, b1_ref, w2_ref, b2_ref, et_ref,
               zenc_ref, idx1_ref, idx2_ref):
    h = jnp.maximum(jnp.dot(x_ref[...], w1_ref[...], precision=_DEF)
                    + b1_ref[...], 0.0)
    z = jnp.dot(h, w2_ref[...], precision=_DEF) + b2_ref[...]
    zenc_ref[...] = z

    et = et_ref[...]
    lane = jax.lax.broadcasted_iota(jnp.int32, (M_BLK, KC), 1)
    sc, run_min = [], None
    for c in range(NKC):
        etc = et[:, c * KC:(c + 1) * KC]
        se_c = jnp.sum(etc * etc, axis=0, keepdims=True)
        s = se_c - 2.0 * jnp.dot(z, etc, precision=_HI)
        sc.append(s)
        run_min = s if run_min is None else jnp.minimum(run_min, s)
    gmin = jnp.min(run_min, axis=1, keepdims=True)

    def argmin_from(chunks, gm):
        cand = None
        for c in range(NKC):
            cc = jnp.where(chunks[c] == gm, lane + c * KC, K_DIM)
            cand = cc if cand is None else jnp.minimum(cand, cc)
        return jnp.min(cand, axis=1, keepdims=True)

    idx1 = argmin_from(sc, gmin)

    sc2, run_min2 = [], None
    for c in range(NKC):
        s2 = jnp.where(lane + c * KC == idx1, jnp.inf, sc[c])
        sc2.append(s2)
        run_min2 = s2 if run_min2 is None else jnp.minimum(run_min2, s2)
    gmin2 = jnp.min(run_min2, axis=1, keepdims=True)
    idx2 = argmin_from(sc2, gmin2)

    idx1_ref[...] = idx1
    idx2_ref[...] = idx2


def _sc_gather(table_hbm, idx1_hbm, idx2_hbm, out_hbm,
               i0, i1, i2, i3, r0, r1, r2, r3,
               si0, si1, si2, si3, sg0, sg1, sg2, sg3,
               so0, so1, so2, so3):
    wid = lax.axis_index("s") * NC + lax.axis_index("c")
    base = wid * B_PER_W
    idxs, rows = (i0, i1, i2, i3), (r0, r1, r2, r3)
    sis, sgs = (si0, si1, si2, si3), (sg0, sg1, sg2, sg3)
    sos = (so0, so1, so2, so3)
    srcs = (idx1_hbm, idx2_hbm)
    offs = []
    for h in range(2):
        for g in range(NGC):
            offs.append((h * NGC + g, srcs[h], base + g * GC, h * N))
    icps = [pltpu.async_copy(src.at[pl.ds(off, GC)], idxs[k], sis[k])
            for k, src, off, _ in offs]
    gcps = [None] * 4
    ocps = [None] * 4
    for k, _, _, _ in offs:
        icps[k].wait()
        gcps[k] = pltpu.async_copy(table_hbm.at[idxs[k]], rows[k], sgs[k])
    for k, _, off, obase in offs:
        gcps[k].wait()
        ocps[k] = pltpu.async_copy(rows[k], out_hbm.at[pl.ds(obase + off, GC)],
                                   sos[k])
    for k, _, _, _ in offs:
        ocps[k].wait()


def _dec_block(z_ref, e1_ref, e2_ref, i1_ref, i2_ref,
               w3_ref, b3_ref, w4_ref, b4_ref, recon_ref, zemb_ref):
    z = z_ref[...]
    e1 = e1_ref[:, :Z_DIM]
    e2 = e2_ref[:, :Z_DIM]
    d1 = jnp.sum((z - e1) ** 2, axis=1, keepdims=True)
    d2 = jnp.sum((z - e2) ** 2, axis=1, keepdims=True)
    swap = (d2 < d1) | ((d2 == d1) & (i2_ref[...] < i1_ref[...]))
    e_sel = jnp.where(swap, e2, e1)
    zemb_ref[...] = e_sel

    h2 = jnp.dot(e_sel, w3_ref[...], precision=_DEF) + b3_ref[...]
    h2 = jnp.where(h2 > 0, h2, 0.1 * h2)
    recon_ref[...] = jnp.dot(h2, w4_ref[...], precision=_DEF) + b4_ref[...]


@jax.jit
def _run(X, W1, b1, W2, b2, embd, W3, b3, W4, b4):
    x2 = X.reshape(N, IN_DIM)
    full = lambda shape: pl.BlockSpec(shape, lambda i: (0, 0))

    zenc, idx1, idx2 = pl.pallas_call(
        _enc_block,
        grid=(N // M_BLK,),
        in_specs=[
            pl.BlockSpec((M_BLK, IN_DIM), lambda i: (i, 0)),
            full((IN_DIM, HID)),
            full((1, HID)),
            full((HID, Z_DIM)),
            full((1, Z_DIM)),
            full((Z_DIM, K_DIM)),
        ],
        out_specs=[
            pl.BlockSpec((M_BLK, Z_DIM), lambda i: (i, 0)),
            pl.BlockSpec((M_BLK, 1), lambda i: (i, 0)),
            pl.BlockSpec((M_BLK, 1), lambda i: (i, 0)),
        ],
        out_shape=[
            jax.ShapeDtypeStruct((N, Z_DIM), F32),
            jax.ShapeDtypeStruct((N, 1), jnp.int32),
            jax.ShapeDtypeStruct((N, 1), jnp.int32),
        ],
    )(x2, W1, b1.reshape(1, HID), W2, b2.reshape(1, Z_DIM), embd.T)

    mesh = plsc.VectorSubcoreMesh(core_axis_name="c", subcore_axis_name="s")
    embd_pad = jnp.pad(embd, ((0, 0), (0, 128 - Z_DIM)))
    gathered = pl.kernel(
        _sc_gather,
        mesh=mesh,
        out_type=jax.ShapeDtypeStruct((B_TOT, 128), F32),
        scratch_types=(
            [pltpu.VMEM((GC,), jnp.int32)] * 4
            + [pltpu.VMEM((GC, 128), F32)] * 4
            + [pltpu.SemaphoreType.DMA] * 12
        ),
    )(embd_pad, idx1.reshape(N), idx2.reshape(N))

    recon, zemb = pl.pallas_call(
        _dec_block,
        grid=(N // M_DEC,),
        in_specs=[
            pl.BlockSpec((M_DEC, Z_DIM), lambda i: (i, 0)),
            pl.BlockSpec((M_DEC, 128), lambda i: (i, 0)),
            pl.BlockSpec((M_DEC, 128), lambda i: (i + N // M_DEC, 0)),
            pl.BlockSpec((M_DEC, 1), lambda i: (i, 0)),
            pl.BlockSpec((M_DEC, 1), lambda i: (i, 0)),
            full((Z_DIM, HID)),
            full((1, HID)),
            full((HID, IN_DIM)),
            full((1, IN_DIM)),
        ],
        out_specs=[
            pl.BlockSpec((M_DEC, IN_DIM), lambda i: (i, 0)),
            pl.BlockSpec((M_DEC, Z_DIM), lambda i: (i, 0)),
        ],
        out_shape=[
            jax.ShapeDtypeStruct((N, IN_DIM), F32),
            jax.ShapeDtypeStruct((N, Z_DIM), F32),
        ],
    )(zenc, gathered, gathered, idx1, idx2, W3, b3.reshape(1, HID), W4,
      b4.reshape(1, IN_DIM))

    return (recon.reshape(B, S, IN_DIM), zenc.reshape(B, S, Z_DIM),
            zemb.reshape(B, S, Z_DIM))


def kernel(X, W1, b1, W2, b2, embd, W3, b3, W4, b4):
    return _run(X, W1, b1, W2, b2, embd, W3, b3, W4, b4)

# --- scband reference (transcript-rebuilt; emitter-appended) ---
"""Pipeline reference for scband-vqvae2-68874095558704 (READ-ONLY COPY).

The authoritative reference and input builder live on the scoring server;
editing this copy changes nothing except your own understanding.
"""

import jax, jax.numpy as jnp
import numpy as np


def setup_inputs(seed: int = 0) -> dict:
    key = jax.random.key(seed)
    ks = jax.random.split(key, 12)
    B, S = 8, 576
    input_dim, hidden_dim, k_dim, z_dim = 768, 2048, 1024, 64
    X = jax.random.normal(ks[0], (B, S, input_dim), dtype=jnp.float32)
    # encoder params (Linear stores weight as [out, in] in torch; we keep [in, out] and matmul directly)
    W1 = jax.random.normal(ks[1], (input_dim, hidden_dim), dtype=jnp.float32) * (1.0 / np.sqrt(input_dim))
    b1 = jnp.zeros((hidden_dim,), dtype=jnp.float32)
    W2 = jax.random.normal(ks[2], (hidden_dim, z_dim), dtype=jnp.float32) * (1.0 / np.sqrt(hidden_dim))
    b2 = jnp.zeros((z_dim,), dtype=jnp.float32)
    embd = jax.random.normal(ks[3], (k_dim, z_dim), dtype=jnp.float32)
    W3 = jax.random.normal(ks[4], (z_dim, hidden_dim), dtype=jnp.float32) * (1.0 / np.sqrt(z_dim))
    b3 = jnp.zeros((hidden_dim,), dtype=jnp.float32)
    W4 = jax.random.normal(ks[5], (hidden_dim, input_dim), dtype=jnp.float32) * (1.0 / np.sqrt(hidden_dim))
    b4 = jnp.zeros((input_dim,), dtype=jnp.float32)
    return {"X": X, "W1": W1, "b1": b1, "W2": W2, "b2": b2, "embd": embd, "W3": W3, "b3": b3, "W4": W4, "b4": b4}


def reference(X, W1, b1, W2, b2, embd, W3, b3, W4, b4):
    # encode
    h = jax.nn.relu(X @ W1 + b1)
    Z_enc = h @ W2 + b2                      # [B, S, z_dim]
    # find_nearest: euclidean distance to every codebook vector, take argmin, gather
    diff = Z_enc[:, :, None, :] - embd[None, None, :, :]   # [B, S, K, z]
    dist = jnp.sqrt(jnp.sum(diff * diff, axis=3))           # [B, S, K]
    index = jnp.argmin(dist, axis=2)                        # [B, S]
    Z_emb = embd[index]                                     # [B, S, z_dim]
    # decode
    h2 = Z_emb @ W3 + b3
    h2 = jnp.where(h2 > 0, h2, 0.1 * h2)                    # LeakyReLU(0.1)
    Z_recon = h2 @ W4 + b4
    return (Z_recon, Z_enc, Z_emb)

if __name__ == "__main__":
    import jax
    _d = setup_inputs()
    print(jax.jit(kernel)(*tuple(_d.values())))

</pallas_src>

<mosaic_0001>
#map = affine_map<(d0, d1) -> (0, 0)>
#map1 = affine_map<(d0, d1) -> (0)>
module attributes {stable_mosaic.version = 14 : i64} {
  func.func @_sc_gather(%arg0: i32, %arg1: i32, %arg2: memref<1024x128xf32, #tpu.memory_space<hbm>>, %arg3: memref<4608xi32, #tpu.memory_space<hbm>>, %arg4: memref<4608xi32, #tpu.memory_space<hbm>>, %arg5: memref<9216x128xf32, #tpu.memory_space<hbm>>, %arg6: memref<72xi32, #tpu.memory_space<vmem>>, %arg7: memref<72xi32, #tpu.memory_space<vmem>>, %arg8: memref<72xi32, #tpu.memory_space<vmem>>, %arg9: memref<72xi32, #tpu.memory_space<vmem>>, %arg10: memref<72x128xf32, #tpu.memory_space<vmem>>, %arg11: memref<72x128xf32, #tpu.memory_space<vmem>>, %arg12: memref<72x128xf32, #tpu.memory_space<vmem>>, %arg13: memref<72x128xf32, #tpu.memory_space<vmem>>, %arg14: memref<!tpu.dma_semaphore, #tpu.memory_space<semaphore_mem>>, %arg15: memref<!tpu.dma_semaphore, #tpu.memory_space<semaphore_mem>>, %arg16: memref<!tpu.dma_semaphore, #tpu.memory_space<semaphore_mem>>, %arg17: memref<!tpu.dma_semaphore, #tpu.memory_space<semaphore_mem>>, %arg18: memref<!tpu.dma_semaphore, #tpu.memory_space<semaphore_mem>>, %arg19: memref<!tpu.dma_semaphore, #tpu.memory_space<semaphore_mem>>, %arg20: memref<!tpu.dma_semaphore, #tpu.memory_space<semaphore_mem>>, %arg21: memref<!tpu.dma_semaphore, #tpu.memory_space<semaphore_mem>>, %arg22: memref<!tpu.dma_semaphore, #tpu.memory_space<semaphore_mem>>, %arg23: memref<!tpu.dma_semaphore, #tpu.memory_space<semaphore_mem>>, %arg24: memref<!tpu.dma_semaphore, #tpu.memory_space<semaphore_mem>>, %arg25: memref<!tpu.dma_semaphore, #tpu.memory_space<semaphore_mem>>) attributes {dimension_semantics = [#tpu.dimension_semantics<core_parallel>, #tpu.dimension_semantics<subcore_parallel>], iteration_bounds = array<i64: 2, 16>, scalar_prefetch = 0 : i64, scratch_operands = 20 : i64, tpu.core_type = #tpu.core_type<sc_vector_subcore>, window_params = [{transform_indices = #map}, {transform_indices = #map1}, {transform_indices = #map1}, {transform_indices = #map}]} {
    %mul3A = arith.constant 2 : i32
    %mul3A_0 = arith.muli %arg1, %mul3A : i32
    %add3A = arith.addi %mul3A_0, %arg0 : i32
    %mul3A_1 = arith.constant 144 : i32
    %mul3A_2 = arith.muli %add3A, %mul3A_1 : i32
    %add3A_3 = arith.constant 0 : i32
    %add3A_4 = arith.addi %mul3A_2, %add3A_3 : i32
    %add3A_5 = arith.constant 72 : i32
    %add3A_6 = arith.addi %mul3A_2, %add3A_5 : i32
    %add3A_7 = arith.constant 0 : i32
    %add3A_8 = arith.addi %mul3A_2, %add3A_7 : i32
    %add3A_9 = arith.constant 72 : i32
    %add3A_10 = arith.addi %mul3A_2, %add3A_9 : i32
    %dma_start3A = tpu.memref_slice %arg3[%add3A_4] : memref<4608xi32, #tpu.memory_space<hbm>> -> memref<72xi32, #tpu.memory_space<hbm>>
    %dma_start3A_11 = tpu.memref_slice %arg3[%add3A_4] : memref<4608xi32, #tpu.memory_space<hbm>> -> memref<72xi32, #tpu.memory_space<hbm>>
    tpu.enqueue_dma source(%dma_start3A_11 : memref<72xi32, #tpu.memory_space<hbm>>) target(%arg6 : memref<72xi32, #tpu.memory_space<vmem>>) target_semaphore(%arg14 : memref<!tpu.dma_semaphore, #tpu.memory_space<semaphore_mem>>)
    %dma_start3A_12 = tpu.memref_slice %arg3[%add3A_6] : memref<4608xi32, #tpu.memory_space<hbm>> -> memref<72xi32, #tpu.memory_space<hbm>>
    %dma_start3A_13 = tpu.memref_slice %arg3[%add3A_6] : memref<4608xi32, #tpu.memory_space<hbm>> -> memref<72xi32, #tpu.memory_space<hbm>>
    tpu.enqueue_dma source(%dma_start3A_13 : memref<72xi32, #tpu.memory_space<hbm>>) target(%arg7 : memref<72xi32, #tpu.memory_space<vmem>>) target_semaphore(%arg15 : memref<!tpu.dma_semaphore, #tpu.memory_space<semaphore_mem>>)
    %dma_start3A_14 = tpu.memref_slice %arg4[%add3A_8] : memref<4608xi32, #tpu.memory_space<hbm>> -> memref<72xi32, #tpu.memory_space<hbm>>
    %dma_start3A_15 = tpu.memref_slice %arg4[%add3A_8] : memref<4608xi32, #tpu.memory_space<hbm>> -> memref<72xi32, #tpu.memory_space<hbm>>
    tpu.enqueue_dma source(%dma_start3A_15 : memref<72xi32, #tpu.memory_space<hbm>>) target(%arg8 : memref<72xi32, #tpu.memory_space<vmem>>) target_semaphore(%arg16 : memref<!tpu.dma_semaphore, #tpu.memory_space<semaphore_mem>>)
    %dma_start3A_16 = tpu.memref_slice %arg4[%add3A_10] : memref<4608xi32, #tpu.memory_space<hbm>> -> memref<72xi32, #tpu.memory_space<hbm>>
    %dma_start3A_17 = tpu.memref_slice %arg4[%add3A_10] : memref<4608xi32, #tpu.memory_space<hbm>> -> memref<72xi32, #tpu.memory_space<hbm>>
    tpu.enqueue_dma source(%dma_start3A_17 : memref<72xi32, #tpu.memory_space<hbm>>) target(%arg9 : memref<72xi32, #tpu.memory_space<vmem>>) target_semaphore(%arg17 : memref<!tpu.dma_semaphore, #tpu.memory_space<semaphore_mem>>)
    %dma_wait3A = tpu.memref_slice %arg3[%add3A_4] : memref<4608xi32, #tpu.memory_space<hbm>> -> memref<72xi32, #tpu.memory_space<hbm>>
    %dma_wait3A_18 = tpu.memref_slice %arg3[%add3A_4] : memref<4608xi32, #tpu.memory_space<hbm>> -> memref<72xi32, #tpu.memory_space<hbm>>
    tpu.wait_dma2 semaphore(%arg14 : memref<!tpu.dma_semaphore, #tpu.memory_space<semaphore_mem>>) src(%dma_wait3A_18 : memref<72xi32, #tpu.memory_space<hbm>>) dst(%arg6 : memref<72xi32, #tpu.memory_space<vmem>>)
    %dma_start3A_19 = arith.constant 0 : i32
    %dma_start3A_20 = arith.constant 0 : i32
    %dma_start3A_21 = tpu.memref_slice %arg2[%dma_start3A_19, %dma_start3A_20] : memref<1024x128xf32, #tpu.memory_space<hbm>> -> memref<1024x128xf32, #tpu.memory_space<hbm>>
    tpu.enqueue_indirect_dma source(%dma_start3A_21 : memref<1024x128xf32, #tpu.memory_space<hbm>>) target(%arg10 : memref<72x128xf32, #tpu.memory_space<vmem>>) offsets(%arg6 : memref<72xi32, #tpu.memory_space<vmem>>) semaphore(%arg18 : memref<!tpu.dma_semaphore, #tpu.memory_space<semaphore_mem>>)
    %dma_wait3A_22 = tpu.memref_slice %arg3[%add3A_6] : memref<4608xi32, #tpu.memory_space<hbm>> -> memref<72xi32, #tpu.memory_space<hbm>>
    %dma_wait3A_23 = tpu.memref_slice %arg3[%add3A_6] : memref<4608xi32, #tpu.memory_space<hbm>> -> memref<72xi32, #tpu.memory_space<hbm>>
    tpu.wait_dma2 semaphore(%arg15 : memref<!tpu.dma_semaphore, #tpu.memory_space<semaphore_mem>>) src(%dma_wait3A_23 : memref<72xi32, #tpu.memory_space<hbm>>) dst(%arg7 : memref<72xi32, #tpu.memory_space<vmem>>)
    %dma_start3A_24 = arith.constant 0 : i32
    %dma_start3A_25 = arith.constant 0 : i32
    %dma_start3A_26 = tpu.memref_slice %arg2[%dma_start3A_24, %dma_start3A_25] : memref<1024x128xf32, #tpu.memory_space<hbm>> -> memref<1024x128xf32, #tpu.memory_space<hbm>>
    tpu.enqueue_indirect_dma source(%dma_start3A_26 : memref<1024x128xf32, #tpu.memory_space<hbm>>) target(%arg11 : memref<72x128xf32, #tpu.memory_space<vmem>>) offsets(%arg7 : memref<72xi32, #tpu.memory_space<vmem>>) semaphore(%arg19 : memref<!tpu.dma_semaphore, #tpu.memory_space<semaphore_mem>>)
    %dma_wait3A_27 = tpu.memref_slice %arg4[%add3A_8] : memref<4608xi32, #tpu.memory_space<hbm>> -> memref<72xi32, #tpu.memory_space<hbm>>
    %dma_wait3A_28 = tpu.memref_slice %arg4[%add3A_8] : memref<4608xi32, #tpu.memory_space<hbm>> -> memref<72xi32, #tpu.memory_space<hbm>>
    tpu.wait_dma2 semaphore(%arg16 : memref<!tpu.dma_semaphore, #tpu.memory_space<semaphore_mem>>) src(%dma_wait3A_28 : memref<72xi32, #tpu.memory_space<hbm>>) dst(%arg8 : memref<72xi32, #tpu.memory_space<vmem>>)
    %dma_start3A_29 = arith.constant 0 : i32
    %dma_start3A_30 = arith.constant 0 : i32
    %dma_start3A_31 = tpu.memref_slice %arg2[%dma_start3A_29, %dma_start3A_30] : memref<1024x128xf32, #tpu.memory_space<hbm>> -> memref<1024x128xf32, #tpu.memory_space<hbm>>
    tpu.enqueue_indirect_dma source(%dma_start3A_31 : memref<1024x128xf32, #tpu.memory_space<hbm>>) target(%arg12 : memref<72x128xf32, #tpu.memory_space<vmem>>) offsets(%arg8 : memref<72xi32, #tpu.memory_space<vmem>>) semaphore(%arg20 : memref<!tpu.dma_semaphore, #tpu.memory_space<semaphore_mem>>)
    %dma_wait3A_32 = tpu.memref_slice %arg4[%add3A_10] : memref<4608xi32, #tpu.memory_space<hbm>> -> memref<72xi32, #tpu.memory_space<hbm>>
    %dma_wait3A_33 = tpu.memref_slice %arg4[%add3A_10] : memref<4608xi32, #tpu.memory_space<hbm>> -> memref<72xi32, #tpu.memory_space<hbm>>
    tpu.wait_dma2 semaphore(%arg17 : memref<!tpu.dma_semaphore, #tpu.memory_space<semaphore_mem>>) src(%dma_wait3A_33 : memref<72xi32, #tpu.memory_space<hbm>>) dst(%arg9 : memref<72xi32, #tpu.memory_space<vmem>>)
    %dma_start3A_34 = arith.constant 0 : i32
    %dma_start3A_35 = arith.constant 0 : i32
    %dma_start3A_36 = tpu.memref_slice %arg2[%dma_start3A_34, %dma_start3A_35] : memref<1024x128xf32, #tpu.memory_space<hbm>> -> memref<1024x128xf32, #tpu.memory_space<hbm>>
    tpu.enqueue_indirect_dma source(%dma_start3A_36 : memref<1024x128xf32, #tpu.memory_space<hbm>>) target(%arg13 : memref<72x128xf32, #tpu.memory_space<vmem>>) offsets(%arg9 : memref<72xi32, #tpu.memory_space<vmem>>) semaphore(%arg21 : memref<!tpu.dma_semaphore, #tpu.memory_space<semaphore_mem>>)
    %dma_wait3A_37 = arith.constant 0 : i32
    %dma_wait3A_38 = arith.constant 0 : i32
    %dma_wait3A_39 = tpu.memref_slice %arg2[%dma_wait3A_37, %dma_wait3A_38] : memref<1024x128xf32, #tpu.memory_space<hbm>> -> memref<1024x128xf32, #tpu.memory_space<hbm>>
    tpu.wait_indirect_dma semaphore(%arg18 : memref<!tpu.dma_semaphore, #tpu.memory_space<semaphore_mem>>) src(%dma_wait3A_39 : memref<1024x128xf32, #tpu.memory_space<hbm>>) dst(%arg10 : memref<72x128xf32, #tpu.memory_space<vmem>>)
    %add3A_40 = arith.constant 0 : i32
    %add3A_41 = arith.addi %add3A_40, %add3A_4 : i32
    %dma_start3A_42 = arith.constant 0 : i32
    %dma_start3A_43 = tpu.memref_slice %arg5[%add3A_41, %dma_start3A_42] : memref<9216x128xf32, #tpu.memory_space<hbm>> -> memref<72x128xf32, #tpu.memory_space<hbm>>
    %dma_start3A_44 = arith.constant 0 : i32
    %dma_start3A_45 = tpu.memref_slice %arg5[%add3A_41, %dma_start3A_44] : memref<9216x128xf32, #tpu.memory_space<hbm>> -> memref<72x128xf32, #tpu.memory_space<hbm>>
    tpu.enqueue_dma source(%arg10 : memref<72x128xf32, #tpu.memory_space<vmem>>) target(%dma_start3A_45 : memref<72x128xf32, #tpu.memory_space<hbm>>) target_semaphore(%arg22 : memref<!tpu.dma_semaphore, #tpu.memory_space<semaphore_mem>>)
    %dma_wait3A_46 = arith.constant 0 : i32
    %dma_wait3A_47 = arith.constant 0 : i32
    %dma_wait3A_48 = tpu.memref_slice %arg2[%dma_wait3A_46, %dma_wait3A_47] : memref<1024x128xf32, #tpu.memory_space<hbm>> -> memref<1024x128xf32, #tpu.memory_space<hbm>>
    tpu.wait_indirect_dma semaphore(%arg19 : memref<!tpu.dma_semaphore, #tpu.memory_space<semaphore_mem>>) src(%dma_wait3A_48 : memref<1024x128xf32, #tpu.memory_space<hbm>>) dst(%arg11 : memref<72x128xf32, #tpu.memory_space<vmem>>)
    %add3A_49 = arith.constant 0 : i32
    %add3A_50 = arith.addi %add3A_49, %add3A_6 : i32
    %dma_start3A_51 = arith.constant 0 : i32
    %dma_start3A_52 = tpu.memref_slice %arg5[%add3A_50, %dma_start3A_51] : memref<9216x128xf32, #tpu.memory_space<hbm>> -> memref<72x128xf32, #tpu.memory_space<hbm>>
    %dma_start3A_53 = arith.constant 0 : i32
    %dma_start3A_54 = tpu.memref_slice %arg5[%add3A_50, %dma_start3A_53] : memref<9216x128xf32, #tpu.memory_space<hbm>> -> memref<72x128xf32, #tpu.memory_space<hbm>>
    tpu.enqueue_dma source(%arg11 : memref<72x128xf32, #tpu.memory_space<vmem>>) target(%dma_start3A_54 : memref<72x128xf32, #tpu.memory_space<hbm>>) target_semaphore(%arg23 : memref<!tpu.dma_semaphore, #tpu.memory_space<semaphore_mem>>)
    %dma_wait3A_55 = arith.constant 0 : i32
    %dma_wait3A_56 = arith.constant 0 : i32
    %dma_wait3A_57 = tpu.memref_slice %arg2[%dma_wait3A_55, %dma_wait3A_56] : memref<1024x128xf32, #tpu.memory_space<hbm>> -> memref<1024x128xf32, #tpu.memory_space<hbm>>
    tpu.wait_indirect_dma semaphore(%arg20 : memref<!tpu.dma_semaphore, #tpu.memory_space<semaphore_mem>>) src(%dma_wait3A_57 : memref<1024x128xf32, #tpu.memory_space<hbm>>) dst(%arg12 : memref<72x128xf32, #tpu.memory_space<vmem>>)
    %add3A_58 = arith.constant 4608 : i32
    %add3A_59 = arith.addi %add3A_58, %add3A_8 : i32
    %dma_start3A_60 = arith.constant 0 : i32
    %dma_start3A_61 = tpu.memref_slice %arg5[%add3A_59, %dma_start3A_60] : memref<9216x128xf32, #tpu.memory_space<hbm>> -> memref<72x128xf32, #tpu.memory_space<hbm>>
    %dma_start3A_62 = arith.constant 0 : i32
    %dma_start3A_63 = tpu.memref_slice %arg5[%add3A_59, %dma_start3A_62] : memref<9216x128xf32, #tpu.memory_space<hbm>> -> memref<72x128xf32, #tpu.memory_space<hbm>>
    tpu.enqueue_dma source(%arg12 : memref<72x128xf32, #tpu.memory_space<vmem>>) target(%dma_start3A_63 : memref<72x128xf32, #tpu.memory_space<hbm>>) target_semaphore(%arg24 : memref<!tpu.dma_semaphore, #tpu.memory_space<semaphore_mem>>)
    %dma_wait3A_64 = arith.constant 0 : i32
    %dma_wait3A_65 = arith.constant 0 : i32
    %dma_wait3A_66 = tpu.memref_slice %arg2[%dma_wait3A_64, %dma_wait3A_65] : memref<1024x128xf32, #tpu.memory_space<hbm>> -> memref<1024x128xf32, #tpu.memory_space<hbm>>
    tpu.wait_indirect_dma semaphore(%arg21 : memref<!tpu.dma_semaphore, #tpu.memory_space<semaphore_mem>>) src(%dma_wait3A_66 : memref<1024x128xf32, #tpu.memory_space<hbm>>) dst(%arg13 : memref<72x128xf32, #tpu.memory_space<vmem>>)
    %add3A_67 = arith.constant 4608 : i32
    %add3A_68 = arith.addi %add3A_67, %add3A_10 : i32
    %dma_start3A_69 = arith.constant 0 : i32
    %dma_start3A_70 = tpu.memref_slice %arg5[%add3A_68, %dma_start3A_69] : memref<9216x128xf32, #tpu.memory_space<hbm>> -> memref<72x128xf32, #tpu.memory_space<hbm>>
    %dma_start3A_71 = arith.constant 0 : i32
    %dma_start3A_72 = tpu.memref_slice %arg5[%add3A_68, %dma_start3A_71] : memref<9216x128xf32, #tpu.memory_space<hbm>> -> memref<72x128xf32, #tpu.memory_space<hbm>>
    tpu.enqueue_dma source(%arg13 : memref<72x128xf32, #tpu.memory_space<vmem>>) target(%dma_start3A_72 : memref<72x128xf32, #tpu.memory_space<hbm>>) target_semaphore(%arg25 : memref<!tpu.dma_semaphore, #tpu.memory_space<semaphore_mem>>)
    %dma_wait3A_73 = arith.constant 0 : i32
    %dma_wait3A_74 = tpu.memref_slice %arg5[%add3A_41, %dma_wait3A_73] : memref<9216x128xf32, #tpu.memory_space<hbm>> -> memref<72x128xf32, #tpu.memory_space<hbm>>
    %dma_wait3A_75 = arith.constant 0 : i32
    %dma_wait3A_76 = tpu.memref_slice %arg5[%add3A_41, %dma_wait3A_75] : memref<9216x128xf32, #tpu.memory_space<hbm>> -> memref<72x128xf32, #tpu.memory_space<hbm>>
    tpu.wait_dma2 semaphore(%arg22 : memref<!tpu.dma_semaphore, #tpu.memory_space<semaphore_mem>>) src(%arg10 : memref<72x128xf32, #tpu.memory_space<vmem>>) dst(%dma_wait3A_76 : memref<72x128xf32, #tpu.memory_space<hbm>>)
    %dma_wait3A_77 = arith.constant 0 : i32
    %dma_wait3A_78 = tpu.memref_slice %arg5[%add3A_50, %dma_wait3A_77] : memref<9216x128xf32, #tpu.memory_space<hbm>> -> memref<72x128xf32, #tpu.memory_space<hbm>>
    %dma_wait3A_79 = arith.constant 0 : i32
    %dma_wait3A_80 = tpu.memref_slice %arg5[%add3A_50, %dma_wait3A_79] : memref<9216x128xf32, #tpu.memory_space<hbm>> -> memref<72x128xf32, #tpu.memory_space<hbm>>
    tpu.wait_dma2 semaphore(%arg23 : memref<!tpu.dma_semaphore, #tpu.memory_space<semaphore_mem>>) src(%arg11 : memref<72x128xf32, #tpu.memory_space<vmem>>) dst(%dma_wait3A_80 : memref<72x128xf32, #tpu.memory_space<hbm>>)
    %dma_wait3A_81 = arith.constant 0 : i32
    %dma_wait3A_82 = tpu.memref_slice %arg5[%add3A_59, %dma_wait3A_81] : memref<9216x128xf32, #tpu.memory_space<hbm>> -> memref<72x128xf32, #tpu.memory_space<hbm>>
    %dma_wait3A_83 = arith.constant 0 : i32
    %dma_wait3A_84 = tpu.memref_slice %arg5[%add3A_59, %dma_wait3A_83] : memref<9216x128xf32, #tpu.memory_space<hbm>> -> memref<72x128xf32, #tpu.memory_space<hbm>>
    tpu.wait_dma2 semaphore(%arg24 : memref<!tpu.dma_semaphore, #tpu.memory_space<semaphore_mem>>) src(%arg12 : memref<72x128xf32, #tpu.memory_space<vmem>>) dst(%dma_wait3A_84 : memref<72x128xf32, #tpu.memory_space<hbm>>)
    %dma_wait3A_85 = arith.constant 0 : i32
    %dma_wait3A_86 = tpu.memref_slice %arg5[%add3A_68, %dma_wait3A_85] : memref<9216x128xf32, #tpu.memory_space<hbm>> -> memref<72x128xf32, #tpu.memory_space<hbm>>
    %dma_wait3A_87 = arith.constant 0 : i32
    %dma_wait3A_88 = tpu.memref_slice %arg5[%add3A_68, %dma_wait3A_87] : memref<9216x128xf32, #tpu.memory_space<hbm>> -> memref<72x128xf32, #tpu.memory_space<hbm>>
    tpu.wait_dma2 semaphore(%arg25 : memref<!tpu.dma_semaphore, #tpu.memory_space<semaphore_mem>>) src(%arg13 : memref<72x128xf32, #tpu.memory_space<vmem>>) dst(%dma_wait3A_88 : memref<72x128xf32, #tpu.memory_space<hbm>>)
    return
  }
}

module attributes {stable_mosaic.version = 14 : i64} {
  func.func @_enc_block(%arg0: i32, %arg1: memref<512x768xf32, #tpu.memory_space<vmem>>, %arg2: memref<768x2048xf32, #tpu.memory_space<vmem>>, %arg3: memref<1x2048xf32, #tpu.memory_space<vmem>>, %arg4: memref<2048x64xf32, #tpu.memory_space<vmem>>, %arg5: memref<1x64xf32, #tpu.memory_space<vmem>>, %arg6: memref<64x1024xf32, #tpu.memory_space<vmem>>, %arg7: memref<512x64xf32, #tpu.memory_space<vmem>>, %arg8: memref<512x1xi32, #tpu.memory_space<vmem>>, %arg9: memref<512x1xi32, #tpu.memory_space<vmem>>) attributes {dimension_semantics = [#tpu.dimension_semantics<arbitrary>], iteration_bounds = array<i64: 9>, scalar_prefetch = 0 : i64, scratch_operands = 0 : i64, tpu.core_type = #tpu.core_type<tc>, window_params = [{transform_indices = @transform_0, window_bounds = array<i64: 512, 768>}, {pipeline_mode = #tpu.pipeline_mode<synchronous>, transform_indices = @transform_1, window_bounds = array<i64: 768, 2048>}, {pipeline_mode = #tpu.pipeline_mode<synchronous>, transform_indices = @transform_2, window_bounds = array<i64: 1, 2048>}, {pipeline_mode = #tpu.pipeline_mode<synchronous>, transform_indices = @transform_3, window_bounds = array<i64: 2048, 64>}, {pipeline_mode = #tpu.pipeline_mode<synchronous>, transform_indices = @transform_4, window_bounds = array<i64: 1, 64>}, {pipeline_mode = #tpu.pipeline_mode<synchronous>, transform_indices = @transform_5, window_bounds = array<i64: 64, 1024>}, {transform_indices = @transform_6, window_bounds = array<i64: 512, 64>}, {transform_indices = @transform_7, window_bounds = array<i64: 512, 1>}, {transform_indices = @transform_8, window_bounds = array<i64: 512, 1>}]} {
    %get3A = arith.constant 0 : index
    %get3A_0 = arith.constant 0 : index
    %get3A_1 = vector.load %arg1[%get3A, %get3A_0] : memref<512x768xf32, #tpu.memory_space<vmem>>, vector<512x768xf32>
    %get3A_2 = arith.constant 0 : index
    %get3A_3 = arith.constant 0 : index
    %get3A_4 = vector.load %arg2[%get3A_2, %get3A_3] : memref<768x2048xf32, #tpu.memory_space<vmem>>, vector<768x2048xf32>
    %dot_general3A = arith.constant dense<0.000000e+00> : vector<512x2048xf32>
    %dot_general3A_5 = tpu.matmul %get3A_1, %get3A_4, %dot_general3A {dimension_numbers = #tpu.dot_dimension_numbers<[1], [0], [0], [1], [0, 0, 1, 1], [], []>, transpose_lhs_hint = false} : vector<512x768xf32>, vector<768x2048xf32>, vector<512x2048xf32> -> vector<512x2048xf32>
    %get3A_6 = arith.constant 0 : index
    %get3A_7 = arith.constant 0 : index
    %get3A_8 = vector.load %arg3[%get3A_6, %get3A_7] : memref<1x2048xf32, #tpu.memory_space<vmem>>, vector<1x2048xf32>
    %add3A = vector.broadcast %get3A_8 : vector<1x2048xf32> to vector<512x2048xf32>
    %add3A_9 = arith.addf %dot_general3A_5, %add3A : vector<512x2048xf32>
    %max3A = arith.constant 0.000000e+00 : f32
    %max3A_10 = vector.broadcast %max3A : f32 to vector<512x2048xf32>
    %max3A_11 = arith.maximumf %add3A_9, %max3A_10 : vector<512x2048xf32>
    %get3A_12 = arith.constant 0 : index
    %get3A_13 = arith.constant 0 : index
    %get3A_14 = vector.load %arg4[%get3A_12, %get3A_13] : memref<2048x64xf32, #tpu.memory_space<vmem>>, vector<2048x64xf32>
    %dot_general3A_15 = arith.constant dense<0.000000e+00> : vector<512x64xf32>
    %dot_general3A_16 = tpu.matmul %max3A_11, %get3A_14, %dot_general3A_15 {dimension_numbers = #tpu.dot_dimension_numbers<[1], [0], [0], [1], [0, 0, 1, 1], [], []>, transpose_lhs_hint = false} : vector<512x2048xf32>, vector<2048x64xf32>, vector<512x64xf32> -> vector<512x64xf32>
    %get3A_17 = arith.constant 0 : index
    %get3A_18 = arith.constant 0 : index
    %get3A_19 = vector.load %arg5[%get3A_17, %get3A_18] : memref<1x64xf32, #tpu.memory_space<vmem>>, vector<1x64xf32>
    %add3A_20 = vector.broadcast %get3A_19 : vector<1x64xf32> to vector<512x64xf32>
    %add3A_21 = arith.addf %dot_general3A_16, %add3A_20 : vector<512x64xf32>
    %swap3A = arith.constant 0 : index
    %swap3A_22 = arith.constant 0 : index
    %swap3A_23 = vector.load %arg7[%swap3A, %swap3A_22] : memref<512x64xf32, #tpu.memory_space<vmem>>, vector<512x64xf32>
    tpu.vector_store %arg7[%swap3A, %swap3A_22], %add3A_21 {strides = array<i32>} : memref<512x64xf32, #tpu.memory_space<vmem>>, vector<512x64xf32>,
    %get3A_24 = arith.constant 0 : index
    %get3A_25 = arith.constant 0 : index
    %get3A_26 = vector.load %arg6[%get3A_24, %get3A_25] : memref<64x1024xf32, #tpu.memory_space<vmem>>, vector<64x1024xf32>
    %iota3A = tpu.iota {dimensions = array<i32: 1>} : vector<512x128xi32>
    %slice3A = vector.extract_strided_slice %get3A_26 {offsets = [0, 0], sizes = [64, 128], strides = [1, 1]} : vector<64x1024xf32> to vector<64x128xf32>
    %mul3A = arith.mulf %slice3A, %slice3A : vector<64x128xf32>
    %reduce_sum3A = arith.constant dense<0.000000e+00> : vector<128xf32>
    %reduce_sum3A_27 = vector.multi_reduction <add>, %mul3A, %reduce_sum3A [0] : vector<64x128xf32> to vector<128xf32>
    %broadcast_in_dim3A = vector.shape_cast %reduce_sum3A_27 : vector<128xf32> to vector<1x128xf32>
    %dot_general3A_28 = arith.constant dense<0.000000e+00> : vector<512x128xf32>
    %dot_general3A_29 = tpu.matmul %add3A_21, %slice3A, %dot_general3A_28 {dimension_numbers = #tpu.dot_dimension_numbers<[1], [0], [0], [1], [0, 0, 1, 1], [], []>, precision = #tpu.contract_precision<fp32>, transpose_lhs_hint = false} : vector<512x64xf32>, vector<64x128xf32>, vector<512x128xf32> -> vector<512x128xf32>
    %mul3A_30 = arith.constant 2.000000e+00 : f32
    %mul3A_31 = vector.broadcast %mul3A_30 : f32 to vector<512x128xf32>
    %mul3A_32 = arith.mulf %mul3A_31, %dot_general3A_29 : vector<512x128xf32>
    %sub3A = vector.broadcast %broadcast_in_dim3A : vector<1x128xf32> to vector<512x128xf32>
    %sub3A_33 = arith.subf %sub3A, %mul3A_32 : vector<512x128xf32>
    %slice3A_34 = vector.extract_strided_slice %get3A_26 {offsets = [0, 128], sizes = [64, 128], strides = [1, 1]} : vector<64x1024xf32> to vector<64x128xf32>
    %mul3A_35 = arith.mulf %slice3A_34, %slice3A_34 : vector<64x128xf32>
    %reduce_sum3A_36 = arith.constant dense<0.000000e+00> : vector<128xf32>
    %reduce_sum3A_37 = vector.multi_reduction <add>, %mul3A_35, %reduce_sum3A_36 [0] : vector<64x128xf32> to vector<128xf32>
    %broadcast_in_dim3A_38 = vector.shape_cast %reduce_sum3A_37 : vector<128xf32> to vector<1x128xf32>
    %dot_general3A_39 = arith.constant dense<0.000000e+00> : vector<512x128xf32>
    %dot_general3A_40 = tpu.matmul %add3A_21, %slice3A_34, %dot_general3A_39 {dimension_numbers = #tpu.dot_dimension_numbers<[1], [0], [0], [1], [0, 0, 1, 1], [], []>, precision = #tpu.contract_precision<fp32>, transpose_lhs_hint = false} : vector<512x64xf32>, vector<64x128xf32>, vector<512x128xf32> -> vector<512x128xf32>
    %mul3A_41 = arith.constant 2.000000e+00 : f32
    %mul3A_42 = vector.broadcast %mul3A_41 : f32 to vector<512x128xf32>
    %mul3A_43 = arith.mulf %mul3A_42, %dot_general3A_40 : vector<512x128xf32>
    %sub3A_44 = vector.broadcast %broadcast_in_dim3A_38 : vector<1x128xf32> to vector<512x128xf32>
    %sub3A_45 = arith.subf %sub3A_44, %mul3A_43 : vector<512x128xf32>
    %min3A = arith.minimumf %sub3A_33, %sub3A_45 : vector<512x128xf32>
    %slice3A_46 = vector.extract_strided_slice %get3A_26 {offsets = [0, 256], sizes = [64, 128], strides = [1, 1]} : vector<64x1024xf32> to vector<64x128xf32>
    %mul3A_47 = arith.mulf %slice3A_46, %slice3A_46 : vector<64x128xf32>
    %reduce_sum3A_48 = arith.constant dense<0.000000e+00> : vector<128xf32>
    %reduce_sum3A_49 = vector.multi_reduction <add>, %mul3A_47, %reduce_sum3A_48 [0] : vector<64x128xf32> to vector<128xf32>
    %broadcast_in_dim3A_50 = vector.shape_cast %reduce_sum3A_49 : vector<128xf32> to vector<1x128xf32>
    %dot_general3A_51 = arith.constant dense<0.000000e+00> : vector<512x128xf32>
    %dot_general3A_52 = tpu.matmul %add3A_21, %slice3A_46, %dot_general3A_51 {dimension_numbers = #tpu.dot_dimension_numbers<[1], [0], [0], [1], [0, 0, 1, 1], [], []>, precision = #tpu.contract_precision<fp32>, transpose_lhs_hint = false} : vector<512x64xf32>, vector<64x128xf32>, vector<512x128xf32> -> vector<512x128xf32>
    %mul3A_53 = arith.constant 2.000000e+00 : f32
    %mul3A_54 = vector.broadcast %mul3A_53 : f32 to vector<512x128xf32>
    %mul3A_55 = arith.mulf %mul3A_54, %dot_general3A_52 : vector<512x128xf32>
    %sub3A_56 = vector.broadcast %broadcast_in_dim3A_50 : vector<1x128xf32> to vector<512x128xf32>
    %sub3A_57 = arith.subf %sub3A_56, %mul3A_55 : vector<512x128xf32>
    %min3A_58 = arith.minimumf %min3A, %sub3A_57 : vector<512x128xf32>
    %slice3A_59 = vector.extract_strided_slice %get3A_26 {offsets = [0, 384], sizes = [64, 128], strides = [1, 1]} : vector<64x1024xf32> to vector<64x128xf32>
    %mul3A_60 = arith.mulf %slice3A_59, %slice3A_59 : vector<64x128xf32>
    %reduce_sum3A_61 = arith.constant dense<0.000000e+00> : vector<128xf32>
    %reduce_sum3A_62 = vector.multi_reduction <add>, %mul3A_60, %reduce_sum3A_61 [0] : vector<64x128xf32> to vector<128xf32>
    %broadcast_in_dim3A_63 = vector.shape_cast %reduce_sum3A_62 : vector<128xf32> to vector<1x128xf32>
    %dot_general3A_64 = arith.constant dense<0.000000e+00> : vector<512x128xf32>
    %dot_general3A_65 = tpu.matmul %add3A_21, %slice3A_59, %dot_general3A_64 {dimension_numbers = #tpu.dot_dimension_numbers<[1], [0], [0], [1], [0, 0, 1, 1], [], []>, precision = #tpu.contract_precision<fp32>, transpose_lhs_hint = false} : vector<512x64xf32>, vector<64x128xf32>, vector<512x128xf32> -> vector<512x128xf32>
    %mul3A_66 = arith.constant 2.000000e+00 : f32
    %mul3A_67 = vector.broadcast %mul3A_66 : f32 to vector<512x128xf32>
    %mul3A_68 = arith.mulf %mul3A_67, %dot_general3A_65 : vector<512x128xf32>
    %sub3A_69 = vector.broadcast %broadcast_in_dim3A_63 : vector<1x128xf32> to vector<512x128xf32>
    %sub3A_70 = arith.subf %sub3A_69, %mul3A_68 : vector<512x128xf32>
    %min3A_71 = arith.minimumf %min3A_58, %sub3A_70 : vector<512x128xf32>
    %slice3A_72 = vector.extract_strided_slice %get3A_26 {offsets = [0, 512], sizes = [64, 128], strides = [1, 1]} : vector<64x1024xf32> to vector<64x128xf32>
    %mul3A_73 = arith.mulf %slice3A_72, %slice3A_72 : vector<64x128xf32>
    %reduce_sum3A_74 = arith.constant dense<0.000000e+00> : vector<128xf32>
    %reduce_sum3A_75 = vector.multi_reduction <add>, %mul3A_73, %reduce_sum3A_74 [0] : vector<64x128xf32> to vector<128xf32>
    %broadcast_in_dim3A_76 = vector.shape_cast %reduce_sum3A_75 : vector<128xf32> to vector<1x128xf32>
    %dot_general3A_77 = arith.constant dense<0.000000e+00> : vector<512x128xf32>
    %dot_general3A_78 = tpu.matmul %add3A_21, %slice3A_72, %dot_general3A_77 {dimension_numbers = #tpu.dot_dimension_numbers<[1], [0], [0], [1], [0, 0, 1, 1], [], []>, precision = #tpu.contract_precision<fp32>, transpose_lhs_hint = false} : vector<512x64xf32>, vector<64x128xf32>, vector<512x128xf32> -> vector<512x128xf32>
    %mul3A_79 = arith.constant 2.000000e+00 : f32
    %mul3A_80 = vector.broadcast %mul3A_79 : f32 to vector<512x128xf32>
    %mul3A_81 = arith.mulf %mul3A_80, %dot_general3A_78 : vector<512x128xf32>
    %sub3A_82 = vector.broadcast %broadcast_in_dim3A_76 : vector<1x128xf32> to vector<512x128xf32>
    %sub3A_83 = arith.subf %sub3A_82, %mul3A_81 : vector<512x128xf32>
    %min3A_84 = arith.minimumf %min3A_71, %sub3A_83 : vector<512x128xf32>
    %slice3A_85 = vector.extract_strided_slice %get3A_26 {offsets = [0, 640], sizes = [64, 128], strides = [1, 1]} : vector<64x1024xf32> to vector<64x128xf32>
    %mul3A_86 = arith.mulf %slice3A_85, %slice3A_85 : vector<64x128xf32>
    %reduce_sum3A_87 = arith.constant dense<0.000000e+00> : vector<128xf32>
    %reduce_sum3A_88 = vector.multi_reduction <add>, %mul3A_86, %reduce_sum3A_87 [0] : vector<64x128xf32> to vector<128xf32>
    %broadcast_in_dim3A_89 = vector.shape_cast %reduce_sum3A_88 : vector<128xf32> to vector<1x128xf32>
    %dot_general3A_90 = arith.constant dense<0.000000e+00> : vector<512x128xf32>
    %dot_general3A_91 = tpu.matmul %add3A_21, %slice3A_85, %dot_general3A_90 {dimension_numbers = #tpu.dot_dimension_numbers<[1], [0], [0], [1], [0, 0, 1, 1], [], []>, precision = #tpu.contract_precision<fp32>, transpose_lhs_hint = false} : vector<512x64xf32>, vector<64x128xf32>, vector<512x128xf32> -> vector<512x128xf32>
    %mul3A_92 = arith.constant 2.000000e+00 : f32
    %mul3A_93 = vector.broadcast %mul3A_92 : f32 to vector<512x128xf32>
    %mul3A_94 = arith.mulf %mul3A_93, %dot_general3A_91 : vector<512x128xf32>
    %sub3A_95 = vector.broadcast %broadcast_in_dim3A_89 : vector<1x128xf32> to vector<512x128xf32>
    %sub3A_96 = arith.subf %sub3A_95, %mul3A_94 : vector<512x128xf32>
    %min3A_97 = arith.minimumf %min3A_84, %sub3A_96 : vector<512x128xf32>
    %slice3A_98 = vector.extract_strided_slice %get3A_26 {offsets = [0, 768], sizes = [64, 128], strides = [1, 1]} : vector<64x1024xf32> to vector<64x128xf32>
    %mul3A_99 = arith.mulf %slice3A_98, %slice3A_98 : vector<64x128xf32>
    %reduce_sum3A_100 = arith.constant dense<0.000000e+00> : vector<128xf32>
    %reduce_sum3A_101 = vector.multi_reduction <add>, %mul3A_99, %reduce_sum3A_100 [0] : vector<64x128xf32> to vector<128xf32>
    %broadcast_in_dim3A_102 = vector.shape_cast %reduce_sum3A_101 : vector<128xf32> to vector<1x128xf32>
    %dot_general3A_103 = arith.constant dense<0.000000e+00> : vector<512x128xf32>
    %dot_general3A_104 = tpu.matmul %add3A_21, %slice3A_98, %dot_general3A_103 {dimension_numbers = #tpu.dot_dimension_numbers<[1], [0], [0], [1], [0, 0, 1, 1], [], []>, precision = #tpu.contract_precision<fp32>, transpose_lhs_hint = false} : vector<512x64xf32>, vector<64x128xf32>, vector<512x128xf32> -> vector<512x128xf32>
    %mul3A_105 = arith.constant 2.000000e+00 : f32
    %mul3A_106 = vector.broadcast %mul3A_105 : f32 to vector<512x128xf32>
    %mul3A_107 = arith.mulf %mul3A_106, %dot_general3A_104 : vector<512x128xf32>
    %sub3A_108 = vector.broadcast %broadcast_in_dim3A_102 : vector<1x128xf32> to vector<512x128xf32>
    %sub3A_109 = arith.subf %sub3A_108, %mul3A_107 : vector<512x128xf32>
    %min3A_110 = arith.minimumf %min3A_97, %sub3A_109 : vector<512x128xf32>
    %slice3A_111 = vector.extract_strided_slice %get3A_26 {offsets = [0, 896], sizes = [64, 128], strides = [1, 1]} : vector<64x1024xf32> to vector<64x128xf32>
    %mul3A_112 = arith.mulf %slice3A_111, %slice3A_111 : vector<64x128xf32>
    %reduce_sum3A_113 = arith.constant dense<0.000000e+00> : vector<128xf32>
    %reduce_sum3A_114 = vector.multi_reduction <add>, %mul3A_112, %reduce_sum3A_113 [0] : vector<64x128xf32> to vector<128xf32>
    %broadcast_in_dim3A_115 = vector.shape_cast %reduce_sum3A_114 : vector<128xf32> to vector<1x128xf32>
    %dot_general3A_116 = arith.constant dense<0.000000e+00> : vector<512x128xf32>
    %dot_general3A_117 = tpu.matmul %add3A_21, %slice3A_111, %dot_general3A_116 {dimension_numbers = #tpu.dot_dimension_numbers<[1], [0], [0], [1], [0, 0, 1, 1], [], []>, precision = #tpu.contract_precision<fp32>, transpose_lhs_hint = false} : vector<512x64xf32>, vector<64x128xf32>, vector<512x128xf32> -> vector<512x128xf32>
    %mul3A_118 = arith.constant 2.000000e+00 : f32
    %mul3A_119 = vector.broadcast %mul3A_118 : f32 to vector<512x128xf32>
    %mul3A_120 = arith.mulf %mul3A_119, %dot_general3A_117 : vector<512x128xf32>
    %sub3A_121 = vector.broadcast %broadcast_in_dim3A_115 : vector<1x128xf32> to vector<512x128xf32>
    %sub3A_122 = arith.subf %sub3A_121, %mul3A_120 : vector<512x128xf32>
    %min3A_123 = arith.minimumf %min3A_110, %sub3A_122 : vector<512x128xf32>
    %reduce_min3A = arith.constant dense<0x7F800000> : vector<512xf32>
    %reduce_min3A_124 = vector.multi_reduction <minimumf>, %min3A_123, %reduce_min3A [1] : vector<512x128xf32> to vector<512xf32>
    %broadcast_in_dim3A_125 = vector.shape_cast %reduce_min3A_124 : vector<512xf32> to vector<512x1xf32>
    %eq3A = vector.broadcast %broadcast_in_dim3A_125 : vector<512x1xf32> to vector<512x128xf32>
    %eq3A_126 = arith.cmpf oeq, %sub3A_33, %eq3A : vector<512x128xf32>
    %add3A_127 = arith.constant 0 : i32
    %add3A_128 = vector.broadcast %add3A_127 : i32 to vector<512x128xi32>
    %add3A_129 = arith.addi %iota3A, %add3A_128 : vector<512x128xi32>
    %jit3A = arith.constant 1024 : i32
    %broadcast_in_dim3A_130 = vector.broadcast %jit3A : i32 to vector<512x128xi32>
    %select_n3A = arith.select %eq3A_126, %add3A_129, %broadcast_in_dim3A_130 : vector<512x128xi1>, vector<512x128xi32>
    %eq3A_131 = vector.broadcast %broadcast_in_dim3A_125 : vector<512x1xf32> to vector<512x128xf32>
    %eq3A_132 = arith.cmpf oeq, %sub3A_45, %eq3A_131 : vector<512x128xf32>
    %add3A_133 = arith.constant 128 : i32
    %add3A_134 = vector.broadcast %add3A_133 : i32 to vector<512x128xi32>
    %add3A_135 = arith.addi %iota3A, %add3A_134 : vector<512x128xi32>
    %jit3A_136 = arith.constant 1024 : i32
    %broadcast_in_dim3A_137 = vector.broadcast %jit3A_136 : i32 to vector<512x128xi32>
    %select_n3A_138 = arith.select %eq3A_132, %add3A_135, %broadcast_in_dim3A_137 : vector<512x128xi1>, vector<512x128xi32>
    %min3A_139 = arith.minsi %select_n3A, %select_n3A_138 : vector<512x128xi32>
    %eq3A_140 = vector.broadcast %broadcast_in_dim3A_125 : vector<512x1xf32> to vector<512x128xf32>
    %eq3A_141 = arith.cmpf oeq, %sub3A_57, %eq3A_140 : vector<512x128xf32>
    %add3A_142 = arith.constant 256 : i32
    %add3A_143 = vector.broadcast %add3A_142 : i32 to vector<512x128xi32>
    %add3A_144 = arith.addi %iota3A, %add3A_143 : vector<512x128xi32>
    %jit3A_145 = arith.constant 1024 : i32
    %broadcast_in_dim3A_146 = vector.broadcast %jit3A_145 : i32 to vector<512x128xi32>
    %select_n3A_147 = arith.select %eq3A_141, %add3A_144, %broadcast_in_dim3A_146 : vector<512x128xi1>, vector<512x128xi32>
    %min3A_148 = arith.minsi %min3A_139, %select_n3A_147 : vector<512x128xi32>
    %eq3A_149 = vector.broadcast %broadcast_in_dim3A_125 : vector<512x1xf32> to vector<512x128xf32>
    %eq3A_150 = arith.cmpf oeq, %sub3A_70, %eq3A_149 : vector<512x128xf32>
    %add3A_151 = arith.constant 384 : i32
    %add3A_152 = vector.broadcast %add3A_151 : i32 to vector<512x128xi32>
    %add3A_153 = arith.addi %iota3A, %add3A_152 : vector<512x128xi32>
    %jit3A_154 = arith.constant 1024 : i32
    %broadcast_in_dim3A_155 = vector.broadcast %jit3A_154 : i32 to vector<512x128xi32>
    %select_n3A_156 = arith.select %eq3A_150, %add3A_153, %broadcast_in_dim3A_155 : vector<512x128xi1>, vector<512x128xi32>
    %min3A_157 = arith.minsi %min3A_148, %select_n3A_156 : vector<512x128xi32>
    %eq3A_158 = vector.broadcast %broadcast_in_dim3A_125 : vector<512x1xf32> to vector<512x128xf32>
    %eq3A_159 = arith.cmpf oeq, %sub3A_83, %eq3A_158 : vector<512x128xf32>
    %add3A_160 = arith.constant 512 : i32
    %add3A_161 = vector.broadcast %add3A_160 : i32 to vector<512x128xi32>
    %add3A_162 = arith.addi %iota3A, %add3A_161 : vector<512x128xi32>
    %jit3A_163 = arith.constant 1024 : i32
    %broadcast_in_dim3A_164 = vector.broadcast %jit3A_163 : i32 to vector<512x128xi32>
    %select_n3A_165 = arith.select %eq3A_159, %add3A_162, %broadcast_in_dim3A_164 : vector<512x128xi1>, vector<512x128xi32>
    %min3A_166 = arith.minsi %min3A_157, %select_n3A_165 : vector<512x128xi32>
    %eq3A_167 = vector.broadcast %broadcast_in_dim3A_125 : vector<512x1xf32> to vector<512x128xf32>
    %eq3A_168 = arith.cmpf oeq, %sub3A_96, %eq3A_167 : vector<512x128xf32>
    %add3A_169 = arith.constant 640 : i32
    %add3A_170 = vector.broadcast %add3A_169 : i32 to vector<512x128xi32>
    %add3A_171 = arith.addi %iota3A, %add3A_170 : vector<512x128xi32>
    %jit3A_172 = arith.constant 1024 : i32
    %broadcast_in_dim3A_173 = vector.broadcast %jit3A_172 : i32 to vector<512x128xi32>
    %select_n3A_174 = arith.select %eq3A_168, %add3A_171, %broadcast_in_dim3A_173 : vector<512x128xi1>, vector<512x128xi32>
    %min3A_175 = arith.minsi %min3A_166, %select_n3A_174 : vector<512x128xi32>
    %eq3A_176 = vector.broadcast %broadcast_in_dim3A_125 : vector<512x1xf32> to vector<512x128xf32>
    %eq3A_177 = arith.cmpf oeq, %sub3A_109, %eq3A_176 : vector<512x128xf32>
    %add3A_178 = arith.constant 768 : i32
    %add3A_179 = vector.broadcast %add3A_178 : i32 to vector<512x128xi32>
    %add3A_180 = arith.addi %iota3A, %add3A_179 : vector<512x128xi32>
    %jit3A_181 = arith.constant 1024 : i32
    %broadcast_in_dim3A_182 = vector.broadcast %jit3A_181 : i32 to vector<512x128xi32>
    %select_n3A_183 = arith.select %eq3A_177, %add3A_180, %broadcast_in_dim3A_182 : vector<512x128xi1>, vector<512x128xi32>
    %min3A_184 = arith.minsi %min3A_175, %select_n3A_183 : vector<512x128xi32>
    %eq3A_185 = vector.broadcast %broadcast_in_dim3A_125 : vector<512x1xf32> to vector<512x128xf32>
    %eq3A_186 = arith.cmpf oeq, %sub3A_122, %eq3A_185 : vector<512x128xf32>
    %add3A_187 = arith.constant 896 : i32
    %add3A_188 = vector.broadcast %add3A_187 : i32 to vector<512x128xi32>
    %add3A_189 = arith.addi %iota3A, %add3A_188 : vector<512x128xi32>
    %jit3A_190 = arith.constant 1024 : i32
    %broadcast_in_dim3A_191 = vector.broadcast %jit3A_190 : i32 to vector<512x128xi32>
    %select_n3A_192 = arith.select %eq3A_186, %add3A_189, %broadcast_in_dim3A_191 : vector<512x128xi1>, vector<512x128xi32>
    %min3A_193 = arith.minsi %min3A_184, %select_n3A_192 : vector<512x128xi32>
    %reduce_min3A_194 = arith.constant dense<2147483647> : vector<512xi32>
    %reduce_min3A_195 = vector.multi_reduction <minsi>, %min3A_193, %reduce_min3A_194 [1] : vector<512x128xi32> to vector<512xi32>
    %broadcast_in_dim3A_196 = vector.shape_cast %reduce_min3A_195 : vector<512xi32> to vector<512x1xi32>
    %add3A_197 = arith.constant 0 : i32
    %add3A_198 = vector.broadcast %add3A_197 : i32 to vector<512x128xi32>
    %add3A_199 = arith.addi %iota3A, %add3A_198 : vector<512x128xi32>
    %eq3A_200 = vector.broadcast %broadcast_in_dim3A_196 : vector<512x1xi32> to vector<512x128xi32>
    %eq3A_201 = arith.cmpi eq, %add3A_199, %eq3A_200 : vector<512x128xi32>
    %jit3A_202 = arith.constant 0x7F800000 : f32
    %broadcast_in_dim3A_203 = vector.broadcast %jit3A_202 : f32 to vector<512x128xf32>
    %select_n3A_204 = arith.select %eq3A_201, %broadcast_in_dim3A_203, %sub3A_33 : vector<512x128xi1>, vector<512x128xf32>
    %add3A_205 = arith.constant 128 : i32
    %add3A_206 = vector.broadcast %add3A_205 : i32 to vector<512x128xi32>
    %add3A_207 = arith.addi %iota3A, %add3A_206 : vector<512x128xi32>
    %eq3A_208 = vector.broadcast %broadcast_in_dim3A_196 : vector<512x1xi32> to vector<512x128xi32>
    %eq3A_209 = arith.cmpi eq, %add3A_207, %eq3A_208 : vector<512x128xi32>
    %jit3A_210 = arith.constant 0x7F800000 : f32
    %broadcast_in_dim3A_211 = vector.broadcast %jit3A_210 : f32 to vector<512x128xf32>
    %select_n3A_212 = arith.select %eq3A_209, %broadcast_in_dim3A_211, %sub3A_45 : vector<512x128xi1>, vector<512x128xf32>
    %min3A_213 = arith.minimumf %select_n3A_204, %select_n3A_212 : vector<512x128xf32>
    %add3A_214 = arith.constant 256 : i32
    %add3A_215 = vector.broadcast %add3A_214 : i32 to vector<512x128xi32>
    %add3A_216 = arith.addi %iota3A, %add3A_215 : vector<512x128xi32>
    %eq3A_217 = vector.broadcast %broadcast_in_dim3A_196 : vector<512x1xi32> to vector<512x128xi32>
    %eq3A_218 = arith.cmpi eq, %add3A_216, %eq3A_217 : vector<512x128xi32>
    %jit3A_219 = arith.constant 0x7F800000 : f32
    %broadcast_in_dim3A_220 = vector.broadcast %jit3A_219 : f32 to vector<512x128xf32>
    %select_n3A_221 = arith.select %eq3A_218, %broadcast_in_dim3A_220, %sub3A_57 : vector<512x128xi1>, vector<512x128xf32>
    %min3A_222 = arith.minimumf %min3A_213, %select_n3A_221 : vector<512x128xf32>
    %add3A_223 = arith.constant 384 : i32
    %add3A_224 = vector.broadcast %add3A_223 : i32 to vector<512x128xi32>
    %add3A_225 = arith.addi %iota3A, %add3A_224 : vector<512x128xi32>
    %eq3A_226 = vector.broadcast %broadcast_in_dim3A_196 : vector<512x1xi32> to vector<512x128xi32>
    %eq3A_227 = arith.cmpi eq, %add3A_225, %eq3A_226 : vector<512x128xi32>
    %jit3A_228 = arith.constant 0x7F800000 : f32
    %broadcast_in_dim3A_229 = vector.broadcast %jit3A_228 : f32 to vector<512x128xf32>
    %select_n3A_230 = arith.select %eq3A_227, %broadcast_in_dim3A_229, %sub3A_70 : vector<512x128xi1>, vector<512x128xf32>
    %min3A_231 = arith.minimumf %min3A_222, %select_n3A_230 : vector<512x128xf32>
    %add3A_232 = arith.constant 512 : i32
    %add3A_233 = vector.broadcast %add3A_232 : i32 to vector<512x128xi32>
    %add3A_234 = arith.addi %iota3A, %add3A_233 : vector<512x128xi32>
    %eq3A_235 = vector.broadcast %broadcast_in_dim3A_196 : vector<512x1xi32> to vector<512x128xi32>
    %eq3A_236 = arith.cmpi eq, %add3A_234, %eq3A_235 : vector<512x128xi32>
    %jit3A_237 = arith.constant 0x7F800000 : f32
    %broadcast_in_dim3A_238 = vector.broadcast %jit3A_237 : f32 to vector<512x128xf32>
    %select_n3A_239 = arith.select %eq3A_236, %broadcast_in_dim3A_238, %sub3A_83 : vector<512x128xi1>, vector<512x128xf32>
    %min3A_240 = arith.minimumf %min3A_231, %select_n3A_239 : vector<512x128xf32>
    %add3A_241 = arith.constant 640 : i32
    %add3A_242 = vector.broadcast %add3A_241 : i32 to vector<512x128xi32>
    %add3A_243 = arith.addi %iota3A, %add3A_242 : vector<512x128xi32>
    %eq3A_244 = vector.broadcast %broadcast_in_dim3A_196 : vector<512x1xi32> to vector<512x128xi32>
    %eq3A_245 = arith.cmpi eq, %add3A_243, %eq3A_244 : vector<512x128xi32>
    %jit3A_246 = arith.constant 0x7F800000 : f32
    %broadcast_in_dim3A_247 = vector.broadcast %jit3A_246 : f32 to vector<512x128xf32>
    %select_n3A_248 = arith.select %eq3A_245, %broadcast_in_dim3A_247, %sub3A_96 : vector<512x128xi1>, vector<512x128xf32>
    %min3A_249 = arith.minimumf %min3A_240, %select_n3A_248 : vector<512x128xf32>
    %add3A_250 = arith.constant 768 : i32
    %add3A_251 = vector.broadcast %add3A_250 : i32 to vector<512x128xi32>
    %add3A_252 = arith.addi %iota3A, %add3A_251 : vector<512x128xi32>
    %eq3A_253 = vector.broadcast %broadcast_in_dim3A_196 : vector<512x1xi32> to vector<512x128xi32>
    %eq3A_254 = arith.cmpi eq, %add3A_252, %eq3A_253 : vector<512x128xi32>
    %jit3A_255 = arith.constant 0x7F800000 : f32
    %broadcast_in_dim3A_256 = vector.broadcast %jit3A_255 : f32 to vector<512x128xf32>
    %select_n3A_257 = arith.select %eq3A_254, %broadcast_in_dim3A_256, %sub3A_109 : vector<512x128xi1>, vector<512x128xf32>
    %min3A_258 = arith.minimumf %min3A_249, %select_n3A_257 : vector<512x128xf32>
    %add3A_259 = arith.constant 896 : i32
    %add3A_260 = vector.broadcast %add3A_259 : i32 to vector<512x128xi32>
    %add3A_261 = arith.addi %iota3A, %add3A_260 : vector<512x128xi32>
    %eq3A_262 = vector.broadcast %broadcast_in_dim3A_196 : vector<512x1xi32> to vector<512x128xi32>
    %eq3A_263 = arith.cmpi eq, %add3A_261, %eq3A_262 : vector<512x128xi32>
    %jit3A_264 = arith.constant 0x7F800000 : f32
    %broadcast_in_dim3A_265 = vector.broadcast %jit3A_264 : f32 to vector<512x128xf32>
    %select_n3A_266 = arith.select %eq3A_263, %broadcast_in_dim3A_265, %sub3A_122 : vector<512x128xi1>, vector<512x128xf32>
    %min3A_267 = arith.minimumf %min3A_258, %select_n3A_266 : vector<512x128xf32>
    %reduce_min3A_268 = arith.constant dense<0x7F800000> : vector<512xf32>
    %reduce_min3A_269 = vector.multi_reduction <minimumf>, %min3A_267, %reduce_min3A_268 [1] : vector<512x128xf32> to vector<512xf32>
    %broadcast_in_dim3A_270 = vector.shape_cast %reduce_min3A_269 : vector<512xf32> to vector<512x1xf32>
    %eq3A_271 = vector.broadcast %broadcast_in_dim3A_270 : vector<512x1xf32> to vector<512x128xf32>
    %eq3A_272 = arith.cmpf oeq, %select_n3A_204, %eq3A_271 : vector<512x128xf32>
    %add3A_273 = arith.constant 0 : i32
    %add3A_274 = vector.broadcast %add3A_273 : i32 to vector<512x128xi32>
    %add3A_275 = arith.addi %iota3A, %add3A_274 : vector<512x128xi32>
    %jit3A_276 = arith.constant 1024 : i32
    %broadcast_in_dim3A_277 = vector.broadcast %jit3A_276 : i32 to vector<512x128xi32>
    %select_n3A_278 = arith.select %eq3A_272, %add3A_275, %broadcast_in_dim3A_277 : vector<512x128xi1>, vector<512x128xi32>
    %eq3A_279 = vector.broadcast %broadcast_in_dim3A_270 : vector<512x1xf32> to vector<512x128xf32>
    %eq3A_280 = arith.cmpf oeq, %select_n3A_212, %eq3A_279 : vector<512x128xf32>
    %add3A_281 = arith.constant 128 : i32
    %add3A_282 = vector.broadcast %add3A_281 : i32 to vector<512x128xi32>
    %add3A_283 = arith.addi %iota3A, %add3A_282 : vector<512x128xi32>
    %jit3A_284 = arith.constant 1024 : i32
    %broadcast_in_dim3A_285 = vector.broadcast %jit3A_284 : i32 to vector<512x128xi32>
    %select_n3A_286 = arith.select %eq3A_280, %add3A_283, %broadcast_in_dim3A_285 : vector<512x128xi1>, vector<512x128xi32>
    %min3A_287 = arith.minsi %select_n3A_278, %select_n3A_286 : vector<512x128xi32>
    %eq3A_288 = vector.broadcast %broadcast_in_dim3A_270 : vector<512x1xf32> to vector<512x128xf32>
    %eq3A_289 = arith.cmpf oeq, %select_n3A_221, %eq3A_288 : vector<512x128xf32>
    %add3A_290 = arith.constant 256 : i32
    %add3A_291 = vector.broadcast %add3A_290 : i32 to vector<512x128xi32>
    %add3A_292 = arith.addi %iota3A, %add3A_291 : vector<512x128xi32>
    %jit3A_293 = arith.constant 1024 : i32
    %broadcast_in_dim3A_294 = vector.broadcast %jit3A_293 : i32 to vector<512x128xi32>
    %select_n3A_295 = arith.select %eq3A_289, %add3A_292, %broadcast_in_dim3A_294 : vector<512x128xi1>, vector<512x128xi32>
    %min3A_296 = arith.minsi %min3A_287, %select_n3A_295 : vector<512x128xi32>
    %eq3A_297 = vector.broadcast %broadcast_in_dim3A_270 : vector<512x1xf32> to vector<512x128xf32>
    %eq3A_298 = arith.cmpf oeq, %select_n3A_230, %eq3A_297 : vector<512x128xf32>
    %add3A_299 = arith.constant 384 : i32
    %add3A_300 = vector.broadcast %add3A_299 : i32 to vector<512x128xi32>
    %add3A_301 = arith.addi %iota3A, %add3A_300 : vector<512x128xi32>
    %jit3A_302 = arith.constant 1024 : i32
    %broadcast_in_dim3A_303 = vector.broadcast %jit3A_302 : i32 to vector<512x128xi32>
    %select_n3A_304 = arith.select %eq3A_298, %add3A_301, %broadcast_in_dim3A_303 : vector<512x128xi1>, vector<512x128xi32>
    %min3A_305 = arith.minsi %min3A_296, %select_n3A_304 : vector<512x128xi32>
    %eq3A_306 = vector.broadcast %broadcast_in_dim3A_270 : vector<512x1xf32> to vector<512x128xf32>
    %eq3A_307 = arith.cmpf oeq, %select_n3A_239, %eq3A_306 : vector<512x128xf32>
    %add3A_308 = arith.constant 512 : i32
    %add3A_309 = vector.broadcast %add3A_308 : i32 to vector<512x128xi32>
    %add3A_310 = arith.addi %iota3A, %add3A_309 : vector<512x128xi32>
    %jit3A_311 = arith.constant 1024 : i32
    %broadcast_in_dim3A_312 = vector.broadcast %jit3A_311 : i32 to vector<512x128xi32>
    %select_n3A_313 = arith.select %eq3A_307, %add3A_310, %broadcast_in_dim3A_312 : vector<512x128xi1>, vector<512x128xi32>
    %min3A_314 = arith.minsi %min3A_305, %select_n3A_313 : vector<512x128xi32>
    %eq3A_315 = vector.broadcast %broadcast_in_dim3A_270 : vector<512x1xf32> to vector<512x128xf32>
    %eq3A_316 = arith.cmpf oeq, %select_n3A_248, %eq3A_315 : vector<512x128xf32>
    %add3A_317 = arith.constant 640 : i32
    %add3A_318 = vector.broadcast %add3A_317 : i32 to vector<512x128xi32>
    %add3A_319 = arith.addi %iota3A, %add3A_318 : vector<512x128xi32>
    %jit3A_320 = arith.constant 1024 : i32
    %broadcast_in_dim3A_321 = vector.broadcast %jit3A_320 : i32 to vector<512x128xi32>
    %select_n3A_322 = arith.select %eq3A_316, %add3A_319, %broadcast_in_dim3A_321 : vector<512x128xi1>, vector<512x128xi32>
    %min3A_323 = arith.minsi %min3A_314, %select_n3A_322 : vector<512x128xi32>
    %eq3A_324 = vector.broadcast %broadcast_in_dim3A_270 : vector<512x1xf32> to vector<512x128xf32>
    %eq3A_325 = arith.cmpf oeq, %select_n3A_257, %eq3A_324 : vector<512x128xf32>
    %add3A_326 = arith.constant 768 : i32
    %add3A_327 = vector.broadcast %add3A_326 : i32 to vector<512x128xi32>
    %add3A_328 = arith.addi %iota3A, %add3A_327 : vector<512x128xi32>
    %jit3A_329 = arith.constant 1024 : i32
    %broadcast_in_dim3A_330 = vector.broadcast %jit3A_329 : i32 to vector<512x128xi32>
    %select_n3A_331 = arith.select %eq3A_325, %add3A_328, %broadcast_in_dim3A_330 : vector<512x128xi1>, vector<512x128xi32>
    %min3A_332 = arith.minsi %min3A_323, %select_n3A_331 : vector<512x128xi32>
    %eq3A_333 = vector.broadcast %broadcast_in_dim3A_270 : vector<512x1xf32> to vector<512x128xf32>
    %eq3A_334 = arith.cmpf oeq, %select_n3A_266, %eq3A_333 : vector<512x128xf32>
    %add3A_335 = arith.constant 896 : i32
    %add3A_336 = vector.broadcast %add3A_335 : i32 to vector<512x128xi32>
    %add3A_337 = arith.addi %iota3A, %add3A_336 : vector<512x128xi32>
    %jit3A_338 = arith.constant 1024 : i32
    %broadcast_in_dim3A_339 = vector.broadcast %jit3A_338 : i32 to vector<512x128xi32>
    %select_n3A_340 = arith.select %eq3A_334, %add3A_337, %broadcast_in_dim3A_339 : vector<512x128xi1>, vector<512x128xi32>
    %min3A_341 = arith.minsi %min3A_332, %select_n3A_340 : vector<512x128xi32>
    %reduce_min3A_342 = arith.constant dense<2147483647> : vector<512xi32>
    %reduce_min3A_343 = vector.multi_reduction <minsi>, %min3A_341, %reduce_min3A_342 [1] : vector<512x128xi32> to vector<512xi32>
    %broadcast_in_dim3A_344 = vector.shape_cast %reduce_min3A_343 : vector<512xi32> to vector<512x1xi32>
    %swap3A_345 = arith.constant 0 : index
    %swap3A_346 = arith.constant 0 : index
    %swap3A_347 = vector.load %arg8[%swap3A_345, %swap3A_346] : memref<512x1xi32, #tpu.memory_space<vmem>>, vector<512x1xi32>
    tpu.vector_store %arg8[%swap3A_345, %swap3A_346], %broadcast_in_dim3A_196 {strides = array<i32>} : memref<512x1xi32, #tpu.memory_space<vmem>>, vector<512x1xi32>,
    %swap3A_348 = arith.constant 0 : index
    %swap3A_349 = arith.constant 0 : index
    %swap3A_350 = vector.load %arg9[%swap3A_348, %swap3A_349] : memref<512x1xi32, #tpu.memory_space<vmem>>, vector<512x1xi32>
    tpu.vector_store %arg9[%swap3A_348, %swap3A_349], %broadcast_in_dim3A_344 {strides = array<i32>} : memref<512x1xi32, #tpu.memory_space<vmem>>, vector<512x1xi32>,
    return
  }
  func.func @transform_0(%arg0: i32) -> (i32, i32) {
    %c0_i32 = arith.constant 0 : i32
    %c0_i32_0 = arith.constant 0 : i32
    return %arg0, %c0_i32 : i32, i32
  }
  func.func @transform_1(%arg0: i32) -> (i32, i32) {
    %c0_i32 = arith.constant 0 : i32
    %c0_i32_0 = arith.constant 0 : i32
    %c0_i32_1 = arith.constant 0 : i32
    return %c0_i32, %c0_i32_0 : i32, i32
  }
  func.func @transform_2(%arg0: i32) -> (i32, i32) {
    %c0_i32 = arith.constant 0 : i32
    %c0_i32_0 = arith.constant 0 : i32
    %c0_i32_1 = arith.constant 0 : i32
    return %c0_i32, %c0_i32_0 : i32, i32
  }
  func.func @transform_3(%arg0: i32) -> (i32, i32) {
    %c0_i32 = arith.constant 0 : i32
    %c0_i32_0 = arith.constant 0 : i32
    %c0_i32_1 = arith.constant 0 : i32
    return %c0_i32, %c0_i32_0 : i32, i32
  }
  func.func @transform_4(%arg0: i32) -> (i32, i32) {
    %c0_i32 = arith.constant 0 : i32
    %c0_i32_0 = arith.constant 0 : i32
    %c0_i32_1 = arith.constant 0 : i32
    return %c0_i32, %c0_i32_0 : i32, i32
  }
  func.func @transform_5(%arg0: i32) -> (i32, i32) {
    %c0_i32 = arith.constant 0 : i32
    %c0_i32_0 = arith.constant 0 : i32
    %c0_i32_1 = arith.constant 0 : i32
    return %c0_i32, %c0_i32_0 : i32, i32
  }
  func.func @transform_6(%arg0: i32) -> (i32, i32) {
    %c0_i32 = arith.constant 0 : i32
    %c0_i32_0 = arith.constant 0 : i32
    return %arg0, %c0_i32 : i32, i32
  }
  func.func @transform_7(%arg0: i32) -> (i32, i32) {
    %c0_i32 = arith.constant 0 : i32
    %c0_i32_0 = arith.constant 0 : i32
    return %arg0, %c0_i32 : i32, i32
  }
  func.func @transform_8(%arg0: i32) -> (i32, i32) {
    %c0_i32 = arith.constant 0 : i32
    %c0_i32_0 = arith.constant 0 : i32
    return %arg0, %c0_i32 : i32, i32
  }
}

module attributes {stable_mosaic.version = 14 : i64} {
  func.func @_dec_block(%arg0: i32, %arg1: memref<512x64xf32, #tpu.memory_space<vmem>>, %arg2: memref<512x128xf32, #tpu.memory_space<vmem>>, %arg3: memref<512x128xf32, #tpu.memory_space<vmem>>, %arg4: memref<512x1xi32, #tpu.memory_space<vmem>>, %arg5: memref<512x1xi32, #tpu.memory_space<vmem>>, %arg6: memref<64x2048xf32, #tpu.memory_space<vmem>>, %arg7: memref<1x2048xf32, #tpu.memory_space<vmem>>, %arg8: memref<2048x768xf32, #tpu.memory_space<vmem>>, %arg9: memref<1x768xf32, #tpu.memory_space<vmem>>, %arg10: memref<512x768xf32, #tpu.memory_space<vmem>>, %arg11: memref<512x64xf32, #tpu.memory_space<vmem>>) attributes {dimension_semantics = [#tpu.dimension_semantics<arbitrary>], iteration_bounds = array<i64: 9>, scalar_prefetch = 0 : i64, scratch_operands = 0 : i64, tpu.core_type = #tpu.core_type<tc>, window_params = [{transform_indices = @transform_0, window_bounds = array<i64: 512, 64>}, {transform_indices = @transform_1, window_bounds = array<i64: 512, 128>}, {transform_indices = @transform_2, window_bounds = array<i64: 512, 128>}, {transform_indices = @transform_3, window_bounds = array<i64: 512, 1>}, {transform_indices = @transform_4, window_bounds = array<i64: 512, 1>}, {pipeline_mode = #tpu.pipeline_mode<synchronous>, transform_indices = @transform_5, window_bounds = array<i64: 64, 2048>}, {pipeline_mode = #tpu.pipeline_mode<synchronous>, transform_indices = @transform_6, window_bounds = array<i64: 1, 2048>}, {pipeline_mode = #tpu.pipeline_mode<synchronous>, transform_indices = @transform_7, window_bounds = array<i64: 2048, 768>}, {pipeline_mode = #tpu.pipeline_mode<synchronous>, transform_indices = @transform_8, window_bounds = array<i64: 1, 768>}, {transform_indices = @transform_9, window_bounds = array<i64: 512, 768>}, {transform_indices = @transform_10, window_bounds = array<i64: 512, 64>}]} {
    %get3A = arith.constant 0 : index
    %get3A_0 = arith.constant 0 : index
    %get3A_1 = vector.load %arg1[%get3A, %get3A_0] : memref<512x64xf32, #tpu.memory_space<vmem>>, vector<512x64xf32>
    %get3A_2 = arith.constant 0 : index
    %get3A_3 = arith.constant 0 : index
    %get3A_4 = vector.load %arg2[%get3A_2, %get3A_3] : memref<512x128xf32, #tpu.memory_space<vmem>>, vector<512x64xf32>
    %get3A_5 = arith.constant 0 : index
    %get3A_6 = arith.constant 0 : index
    %get3A_7 = vector.load %arg3[%get3A_5, %get3A_6] : memref<512x128xf32, #tpu.memory_space<vmem>>, vector<512x64xf32>
    %sub3A = arith.subf %get3A_1, %get3A_4 : vector<512x64xf32>
    %integer_pow3A = arith.mulf %sub3A, %sub3A : vector<512x64xf32>
    %reduce_sum3A = arith.constant dense<0.000000e+00> : vector<512xf32>
    %reduce_sum3A_8 = vector.multi_reduction <add>, %integer_pow3A, %reduce_sum3A [1] : vector<512x64xf32> to vector<512xf32>
    %broadcast_in_dim3A = vector.shape_cast %reduce_sum3A_8 : vector<512xf32> to vector<512x1xf32>
    %sub3A_9 = arith.subf %get3A_1, %get3A_7 : vector<512x64xf32>
    %integer_pow3A_10 = arith.mulf %sub3A_9, %sub3A_9 : vector<512x64xf32>
    %reduce_sum3A_11 = arith.constant dense<0.000000e+00> : vector<512xf32>
    %reduce_sum3A_12 = vector.multi_reduction <add>, %integer_pow3A_10, %reduce_sum3A_11 [1] : vector<512x64xf32> to vector<512xf32>
    %broadcast_in_dim3A_13 = vector.shape_cast %reduce_sum3A_12 : vector<512xf32> to vector<512x1xf32>
    %lt3A = arith.cmpf olt, %broadcast_in_dim3A_13, %broadcast_in_dim3A : vector<512x1xf32>
    %eq3A = arith.cmpf oeq, %broadcast_in_dim3A_13, %broadcast_in_dim3A : vector<512x1xf32>
    %get3A_14 = arith.constant 0 : index
    %get3A_15 = arith.constant 0 : index
    %get3A_16 = vector.load %arg5[%get3A_14, %get3A_15] : memref<512x1xi32, #tpu.memory_space<vmem>>, vector<512x1xi32>
    %get3A_17 = arith.constant 0 : index
    %get3A_18 = arith.constant 0 : index
    %get3A_19 = vector.load %arg4[%get3A_17, %get3A_18] : memref<512x1xi32, #tpu.memory_space<vmem>>, vector<512x1xi32>
    %lt3A_20 = arith.cmpi slt, %get3A_16, %get3A_19 : vector<512x1xi32>
    %and3A = arith.andi %eq3A, %lt3A_20 : vector<512x1xi1>
    %or3A = arith.ori %lt3A, %and3A : vector<512x1xi1>
    %broadcast_in_dim3A_21 = vector.shape_cast %or3A : vector<512x1xi1> to vector<512x1xi1>
    %broadcast_in_dim3A_22 = vector.broadcast %broadcast_in_dim3A_21 : vector<512x1xi1> to vector<512x64xi1>
    %select_n3A = arith.select %broadcast_in_dim3A_22, %get3A_7, %get3A_4 : vector<512x64xi1>, vector<512x64xf32>
    %swap3A = arith.constant 0 : index
    %swap3A_23 = arith.constant 0 : index
    %swap3A_24 = vector.load %arg11[%swap3A, %swap3A_23] : memref<512x64xf32, #tpu.memory_space<vmem>>, vector<512x64xf32>
    tpu.vector_store %arg11[%swap3A, %swap3A_23], %select_n3A {strides = array<i32>} : memref<512x64xf32, #tpu.memory_space<vmem>>, vector<512x64xf32>,
    %get3A_25 = arith.constant 0 : index
    %get3A_26 = arith.constant 0 : index
    %get3A_27 = vector.load %arg6[%get3A_25, %get3A_26] : memref<64x2048xf32, #tpu.memory_space<vmem>>, vector<64x2048xf32>
    %dot_general3A = arith.constant dense<0.000000e+00> : vector<512x2048xf32>
    %dot_general3A_28 = tpu.matmul %select_n3A, %get3A_27, %dot_general3A {dimension_numbers = #tpu.dot_dimension_numbers<[1], [0], [0], [1], [0, 0, 1, 1], [], []>, transpose_lhs_hint = false} : vector<512x64xf32>, vector<64x2048xf32>, vector<512x2048xf32> -> vector<512x2048xf32>
    %get3A_29 = arith.constant 0 : index
    %get3A_30 = arith.constant 0 : index
    %get3A_31 = vector.load %arg7[%get3A_29, %get3A_30] : memref<1x2048xf32, #tpu.memory_space<vmem>>, vector<1x2048xf32>
    %add3A = vector.broadcast %get3A_31 : vector<1x2048xf32> to vector<512x2048xf32>
    %add3A_32 = arith.addf %dot_general3A_28, %add3A : vector<512x2048xf32>
    %gt3A = arith.constant 0.000000e+00 : f32
    %gt3A_33 = vector.broadcast %gt3A : f32 to vector<512x2048xf32>
    %gt3A_34 = arith.cmpf ogt, %add3A_32, %gt3A_33 : vector<512x2048xf32>
    %mul3A = arith.constant 1.000000e-01 : f32
    %mul3A_35 = vector.broadcast %mul3A : f32 to vector<512x2048xf32>
    %mul3A_36 = arith.mulf %mul3A_35, %add3A_32 : vector<512x2048xf32>
    %select_n3A_37 = arith.select %gt3A_34, %add3A_32, %mul3A_36 : vector<512x2048xi1>, vector<512x2048xf32>
    %get3A_38 = arith.constant 0 : index
    %get3A_39 = arith.constant 0 : index
    %get3A_40 = vector.load %arg8[%get3A_38, %get3A_39] : memref<2048x768xf32, #tpu.memory_space<vmem>>, vector<2048x768xf32>
    %dot_general3A_41 = arith.constant dense<0.000000e+00> : vector<512x768xf32>
    %dot_general3A_42 = tpu.matmul %select_n3A_37, %get3A_40, %dot_general3A_41 {dimension_numbers = #tpu.dot_dimension_numbers<[1], [0], [0], [1], [0, 0, 1, 1], [], []>, transpose_lhs_hint = false} : vector<512x2048xf32>, vector<2048x768xf32>, vector<512x768xf32> -> vector<512x768xf32>
    %get3A_43 = arith.constant 0 : index
    %get3A_44 = arith.constant 0 : index
    %get3A_45 = vector.load %arg9[%get3A_43, %get3A_44] : memref<1x768xf32, #tpu.memory_space<vmem>>, vector<1x768xf32>
    %add3A_46 = vector.broadcast %get3A_45 : vector<1x768xf32> to vector<512x768xf32>
    %add3A_47 = arith.addf %dot_general3A_42, %add3A_46 : vector<512x768xf32>
    %swap3A_48 = arith.constant 0 : index
    %swap3A_49 = arith.constant 0 : index
    %swap3A_50 = vector.load %arg10[%swap3A_48, %swap3A_49] : memref<512x768xf32, #tpu.memory_space<vmem>>, vector<512x768xf32>
    tpu.vector_store %arg10[%swap3A_48, %swap3A_49], %add3A_47 {strides = array<i32>} : memref<512x768xf32, #tpu.memory_space<vmem>>, vector<512x768xf32>,
    return
  }
  func.func @transform_0(%arg0: i32) -> (i32, i32) {
    %c0_i32 = arith.constant 0 : i32
    %c0_i32_0 = arith.constant 0 : i32
    return %arg0, %c0_i32 : i32, i32
  }
  func.func @transform_1(%arg0: i32) -> (i32, i32) {
    %c0_i32 = arith.constant 0 : i32
    %c0_i32_0 = arith.constant 0 : i32
    return %arg0, %c0_i32 : i32, i32
  }
  func.func @transform_2(%arg0: i32) -> (i32, i32) {
    %add3A = arith.constant 9 : i32
    %add3A_0 = arith.addi %arg0, %add3A : i32
    %c0_i32 = arith.constant 0 : i32
    %c0_i32_1 = arith.constant 0 : i32
    return %add3A_0, %c0_i32 : i32, i32
  }
  func.func @transform_3(%arg0: i32) -> (i32, i32) {
    %c0_i32 = arith.constant 0 : i32
    %c0_i32_0 = arith.constant 0 : i32
    return %arg0, %c0_i32 : i32, i32
  }
  func.func @transform_4(%arg0: i32) -> (i32, i32) {
    %c0_i32 = arith.constant 0 : i32
    %c0_i32_0 = arith.constant 0 : i32
    return %arg0, %c0_i32 : i32, i32
  }
  func.func @transform_5(%arg0: i32) -> (i32, i32) {
    %c0_i32 = arith.constant 0 : i32
    %c0_i32_0 = arith.constant 0 : i32
    %c0_i32_1 = arith.constant 0 : i32
    return %c0_i32, %c0_i32_0 : i32, i32
  }
  func.func @transform_6(%arg0: i32) -> (i32, i32) {
    %c0_i32 = arith.constant 0 : i32
    %c0_i32_0 = arith.constant 0 : i32
    %c0_i32_1 = arith.constant 0 : i32
    return %c0_i32, %c0_i32_0 : i32, i32
  }
  func.func @transform_7(%arg0: i32) -> (i32, i32) {
    %c0_i32 = arith.constant 0 : i32
    %c0_i32_0 = arith.constant 0 : i32
    %c0_i32_1 = arith.constant 0 : i32
    return %c0_i32, %c0_i32_0 : i32, i32
  }
  func.func @transform_8(%arg0: i32) -> (i32, i32) {
    %c0_i32 = arith.constant 0 : i32
    %c0_i32_0 = arith.constant 0 : i32
    %c0_i32_1 = arith.constant 0 : i32
    return %c0_i32, %c0_i32_0 : i32, i32
  }
  func.func @transform_9(%arg0: i32) -> (i32, i32) {
    %c0_i32 = arith.constant 0 : i32
    %c0_i32_0 = arith.constant 0 : i32
    return %arg0, %c0_i32 : i32, i32
  }
  func.func @transform_10(%arg0: i32) -> (i32, i32) {
    %c0_i32 = arith.constant 0 : i32
    %c0_i32_0 = arith.constant 0 : i32
    return %arg0, %c0_i32 : i32, i32
  }
}

</mosaic_0001>

<sc_bundles>
// kernel: _run.5.cloned.1.call-start
scs
__scs_entry_jumppad:
0x0: {  	(pc) =	sbr.rel $0x88, $3  }
0x1: {  	(tag) =	ssettag $0x0;
	lr =	simm.s32 $0x1  }
0x2: {  	[smem:$0x3F97] =	sst lr;
	_ =	strace $0xD0000000  }
0x3: {  	_ = 	snop  }
0x4: {  	_ = 	snop  }
0x5: {  	_ = 	snop  }
0x6: {  	_ = 	snop  }
0x7: {  	_ = 	snop  }
__scs_overlays_trampoline_lowered:
0x8: {  	[smem:$0x3FA6] =	sst s0  }
0x9: {  	[smem:$0x3FA7] =	sst s1  }
0xa: {  	[smem:$0x3FA8] =	sst s2  }
0xb: {  	[smem:$0x3FA9] =	sst s3  }
0xc: {  	[smem:$0x3FAA] =	sst s4  }
0xd: {  	[smem:$0x3FAB] =	sst s5  }
0xe: {  	[smem:$0x3FAC] =	sst s6  }
0xf: {  	[smem:$0x3FAD] =	sst s7  }
0x10: {  	[smem:$0x3FAE] =	sst s8  }
0x11: {  	[smem:$0x3FAF] =	sst s9;
	s0 =	simm.s32 @!p0 $0x0  }
0x12: {  	s1 =	sld [smem:$0x3F95];
	s0 =	simm.s32 @p0 $0x1  }
0x13: {  	[smem:$0x3FB0] =	sst s0;
	s0 =	simm.s32 @!p1 $0x0  }
0x14: {  	s2 =	sld [smem:$0x3F94];
	s0 =	simm.s32 @p1 $0x1  }
0x15: {  	[smem:$0x3FB1] =	sst s0;
	s0 =	simm.s32 @!p2 $0x0  }
0x16: {  	s3 =	sld [smem:$0x3FDB];
	s0 =	simm.s32 @p2 $0x1  }
0x17: {  	s4 =	simm.s32 $0x1BF5;
	[smem:$0x3FB3] =	sst s0  }
0x18: {  	s0 =	sld [smem:$0x3F96];
	_ =	swait.ge [sflag:s4], $0x0  }
0x19: {  	s7 =	sld [smem:$0x3F97]  }
0x1a: {  	s8 =	sadd.s32 $0xFFFFE003, lr  }
0x1b: {  	s9 =	sadd.s32 $0xFFFFFEF7, lr;
	s5 =	simm.s32 $0xFFFFFFFF;
	p2 =	slt.u32 s8, $0xFFFFF086  }
0x1c: {  	p1 =	slt.u32 s9, $0xF7A;
	s5 =	simm.s32 @!p2 $0x0  }
0x1d: {  	s5 =	simm.s32 @p1 $0x1;
	p0 =	seq.s32 s7, s2  }
0x1e: {  	s7 =	smul.u32 @!p0 $0xF7A, s2;
	p2 =	seq.s32 @!p0 s5, $0x0  }
0x1f: {  	s9 =	smul.u32 $0xF7A, s1;
	s8 =	simm.s32 @!p0 $0x1BF5;
	p2 =	por !p2, p0  }
0x20: {  	[sflag:s8] =	ssyncset.s32 @!p0 $0xFFFFF086;
	s6 =	sadd.s32 @!p0 s3, s7;
	s7 =	simm.s32 @!p0 $0x108  }
0x21: {  	s3 =	sadd.s32 s3, s9;
	s6 =	sadd.s32 @!p0 $0x88, s6;
	s7 =	simm.s32 @p2 $0x1082  }
0x22: {  	[simem:s7], [sflag:s8] =	dma.local @!p0 [hbm:s6], $0xF7A  }
0x23: {  	s9 =	sor.u32 $0xD0000000, s2;
	s6 =	simm.s32 $0x108;
	_ =	swait.ge @!p0 [sflag:s8], $0x0  }
0x24: {  	s3 =	sadd.s32 $0x88, s3;
	s6 =	simm.s32 @!p1 $0x1082;
	[sflag:s4] =	ssyncset.s32 $0xFFFFF086  }
0x25: {  	[simem:s6], [sflag:s4] =	dma.local [hbm:s3], $0xF7A  }
0x26: {  	[smem:$0x3F97] =	sst s1;
	(tag) =	ssettag s2;
	_ =	strace s9  }
0x27: {  	s1 =	sld [smem:$0x3FA7]  }
0x28: {  	s2 =	sld [smem:$0x3FA8]  }
0x29: {  	s4 =	sld [smem:$0x3FAA]  }
0x2a: {  	p0 =	seq.s32 s5, $0x0;
	s5 =	sld [smem:$0x3FAB]  }
0x2b: {  	s6 =	sld [smem:$0x3FAC]  }
0x2c: {  	s7 =	sld [smem:$0x3FAD]  }
0x2d: {  	s3 =	simm.s32 $0x108;
	s8 =	sld [smem:$0x3FAE]  }
0x2e: {  	s3 =	simm.s32 @!p0 $0x1082;
	s9 =	sld [smem:$0x3FAF]  }
0x2f: {  	lr =	sadd.s32 s0, s3;
	s0 =	sld [smem:$0x3FA6]  }
0x30: {  	s3 =	sld [smem:$0x3FA9]  }
0x31: {  	[smem:$0x3FB2] =	sst s10  }
0x32: {  	s10 =	sld [smem:$0x3FB0];
	_ =	sdelay $0x3  }
0x33: {  	p0 =	seq.s32 s10, $0x1;
	s10 =	sld [smem:$0x3FB2];
	_ =	sdelay $0x3  }
0x34: {  	[smem:$0x3FB2] =	sst s10  }
0x35: {  	s10 =	sld [smem:$0x3FB1];
	_ =	sdelay $0x3  }
0x36: {  	p1 =	seq.s32 s10, $0x1;
	s10 =	sld [smem:$0x3FB2];
	_ =	sdelay $0x3  }
0x37: {  	[smem:$0x3FB2] =	sst s10  }
0x38: {  	s10 =	sld [smem:$0x3FB3]  }
0x39: {  	_ = 	snop;
	(pc) =	sbr.ind lr, $3  }
0x3a: {  	_ = 	snop  }
0x3b: {  	_ = 	snop  }
0x3c: {  	p2 =	seq.s32 s10, $0x1;
	s10 =	sld [smem:$0x3FB2]  }
0x3d: {  	_ =	shalt  }
0x3e: {  	_ =	shalt  }
0x3f: {  	_ =	shalt  }
0x40: {  	_ =	shalt  }
0x41: {  	_ =	shalt  }
0x42: {  	_ =	shalt  }
0x43: {  	_ =	shalt  }
0x44: {  	_ =	shalt  }
0x45: {  	_ =	shalt  }
0x46: {  	_ =	shalt  }
0x47: {  	_ =	shalt  }
0x48: {  	_ =	shalt  }
0x49: {  	_ =	shalt  }
0x4a: {  	_ =	shalt  }
0x4b: {  	_ =	shalt  }
0x4c: {  	_ =	shalt  }
0x4d: {  	_ =	shalt  }
0x4e: {  	_ =	shalt  }
0x4f: {  	_ =	shalt  }
0x50: {  	_ =	shalt  }
0x51: {  	_ =	shalt  }
0x52: {  	_ =	shalt  }
0x53: {  	_ =	shalt  }
0x54: {  	_ =	shalt  }
0x55: {  	_ =	shalt  }
0x56: {  	_ =	shalt  }
0x57: {  	_ =	shalt  }
0x58: {  	_ =	shalt  }
0x59: {  	_ =	shalt  }
0x5a: {  	_ =	shalt  }
0x5b: {  	_ =	shalt  }
0x5c: {  	_ =	shalt  }
0x5d: {  	_ =	shalt  }
0x5e: {  	_ =	shalt  }
0x5f: {  	_ =	shalt  }
0x60: {  	_ =	shalt  }
0x61: {  	_ =	shalt  }
0x62: {  	_ =	shalt  }
0x63: {  	_ =	shalt  }
0x64: {  	_ =	shalt  }
0x65: {  	_ =	shalt  }
0x66: {  	_ =	shalt  }
0x67: {  	_ =	shalt  }
0x68: {  	_ =	shalt  }
0x69: {  	_ =	shalt  }
0x6a: {  	_ =	shalt  }
0x6b: {  	_ =	shalt  }
0x6c: {  	_ =	shalt  }
0x6d: {  	_ =	shalt  }
0x6e: {  	_ =	shalt  }
0x6f: {  	_ =	shalt  }
0x70: {  	_ =	shalt  }
0x71: {  	_ =	shalt  }
0x72: {  	_ =	shalt  }
0x73: {  	_ =	shalt  }
0x74: {  	_ =	shalt  }
0x75: {  	_ =	shalt  }
0x76: {  	_ =	shalt  }
0x77: {  	_ =	shalt  }
0x78: {  	_ =	shalt  }
0x79: {  	_ =	shalt  }
0x7a: {  	_ =	shalt  }
0x7b: {  	_ =	shalt  }
0x7c: {  	_ =	shalt  }
0x7d: {  	_ =	shalt  }
0x7e: {  	_ =	shalt  }
0x7f: {  	_ =	shalt  }
0x80: {  	_ =	shalt  }
0x81: {  	_ =	shalt  }
0x82: {  	_ =	shalt  }
0x83: {  	_ =	shalt  }
0x84: {  	_ =	shalt  }
0x85: {  	_ =	shalt  }
0x86: {  	_ =	shalt  }
0x87: {  	_ =	shalt  }
.Lfunc_end0:
.L_simem_size_0:
called_computation_lowered:
.L_overlay_start_0:
0x88: {  	s2 =	sld [smem:$0x3FD9]  }
0x89: {  	s3 =	sld [smem:$0x3FFE];
	_ =	sdelay $0x1  }
0x8a: {  	s1 =	srdreg.scid  }
0x8b: {  	s0 =	sand.u32 $0x1, s1  }
0x8c: {  	s14 =	sshll.u32 s0, $0xA;
	s2 =	sadd.s32 s3, s2  }
0x8d: {  	s2 =	sadd.s32 s2, s14  }
0x8e: {  	[smem:$0x3FBE] =	sst s2  }
0x8f: {  	_ = 	snop  }
0x90: {  	s2 =	sld [smem:$0x3FD0];
	_ =	sdelay $0x2  }
0x91: {  	s15 =	simm.s32 $0xA;
	s4 =	simm.s32 $0x10  }
0x92: {  	[smem:s4], [sflag:s15] =	dma.local [hbm:s2], $0x1  }
0x93: {  	_ =	swait.eq [sflag:s15], $0x1  }
0x94: {  	[sflag:s15] =	ssyncset.done $0x0  }
0x95: {  	s16 =	sld [smem:$0x10];
	[sflag:s15] =	ssyncadd.s32 $0xFFFFFFFF  }
0x96: {  	s17 =	sld [smem:$0x12];
	(tm) =	ssettm $0x1  }
0x97: {  	s18 =	sld [smem:$0x3FFB];
	_ =	sdelay $0x3  }
0x98: {  	_ =	strace s18  }
0x99: {  	s4 =	sld [smem:$0x3FFC];
	_ =	sdelay $0x3  }
0x9a: {  	_ =	strace s4  }
0x9b: {  	s4 =	sld [smem:$0x3FFD];
	_ =	sdelay $0x3  }
0x9c: {  	_ =	strace s4  }
0x9d: {  	_ =	strace $0x8FFFFFFF  }
0x9e: {  	s19 =	sld [smem:$0x3FDB];
	_ =	sdelay $0x1  }
0x9f: {  	s5 =	simm.s32 $_scs_section_size  }
0xa0: {  	s6 =	simm.s32 $_size__tile_overlayer_lowered;
	s7 =	simm.s32 $_tile_overlayer_lowered  }
0xa1: {  	s22 =	simm.s32 $0x1BFF;
	s21 =	sshll.u32 s7, $0x1;
	s4 =	sadd.s32 s5, s19  }
0xa2: {  	s8 =	simm.s32 $0x0;
	s20 =	sshll.u32 s6, $0x1;
	s6 =	sadd.s32 s21, s4  }
0xa3: {  	[timem:s8], [sflag:s22] =	dma.local [hbm:s6], s20  }
0xa4: {  	_ =	swait.ge [sflag:s22], s20  }
0xa5: {  	s5 =	ssub.s32 $0x0, s20;
	[sflag:s22] =	ssyncset.done $0x0  }
0xa6: {  	[sflag:s22] =	ssyncadd.s32 s5;
	_ =	sdelay $0x1  }
0xa7: {  	s23 =	simm.s32 $0x1B8B  }
0xa8: {  	_ =	swait.ge [sflag:s23], $0x1  }
0xa9: {  	[sflag:s23] =	ssyncset.done $0x0  }
0xaa: {  	s25 =	simm.s32 $0x1B8E;
	s24 =	sld [smem:$0x3FFE];
	[sflag:s23] =	ssyncadd.s32 $0xFFFFFFFF  }
0xab: {  	s26 =	simm.s32 $execute0_lowered;
	[smem:$0x3FD2] =	sst s25  }
0xac: {  	s6 =	sshll.u32 s26, $0x1;
	_ =	strace $0x80000046;
	[dreg:$0x1] =	wrdreg $0xFFFFFFFF  }
0xad: {  	s28 =	simm.s32 $_size_execute0_lowered;
	s4 =	sadd.s32 s4, s6;
	[dreg:$0x0] =	wrdreg $0x0  }
0xae: {  	s6 =	sshll.u32 s28, $0x1;
	[dreg:$0x2] =	wrdreg s4  }
0xaf: {  	[dreg:$0x3] =	wrdreg s6  }
0xb0: {  	[dreg:$0x4] =	wrdreg $0xC0  }
0xb1: {  	_ =	task [dreg:s8], $0x5FFFF  }
0xb2: {  	[dreg:$0x1] =	wrdreg $0xFFFFFFFF  }
0xb3: {  	[dreg:$0x0] =	wrdreg $0x60  }
0xb4: {  	[dreg:$0x2] =	wrdreg s17  }
0xb5: {  	[dreg:$0x3] =	wrdreg s24  }
0xb6: {  	[dreg:$0x4] =	wrdreg s16  }
0xb7: {  	[dreg:$0x5] =	wrdreg $0x9  }
0xb8: {  	_ =	task.clear_ibuf [dreg:s8], $0x6FFFF;
	_ =	strace $0x90000046  }
0xb9: {  	s29 =	simm.s32 $0x9;
	_ =	strace $0x80000048  }
0xba: {  	_ =	swait.ge [sflag:s29], $0x1  }
0xbb: {  	[sflag:s29] =	ssyncadd.s32 $0xFFFFFFFF  }
0xbc: {  	_ =	strace $0x90000048  }
0xbd: {  	_ =	sfence  }
0xbe: {  	s30 =	sld [smem:$0x0];
	_ =	sdelay $0x2  }
0xbf: {  	s31 =	sshll.u32 s1, $0xD;
	s1 =	sshrl.u32 s1, $0x2  }
0xc0: {  	s3 =	sand.u32 $0x4000, s31;
	s1 =	sadd.s32 s1, s30  }
0xc1: {  	s0 =	sor.u32 s3, s0;
	s1 =	sshll.u32 s1, $0x11  }
0xc2: {  	s0 =	sor.u32 s1, s0  }
0xc3: {  	s0 =	sadd.s32 $0x8F2B, s0  }
0xc4: {  	[sflag:s0] =	ssyncadd.remote.s32 $0x1  }
0xc5: {  	_ =	sfence.sel $0xFFFF  }
0xc6: {  	[dreg:$0x0] =	wrdreg $0xFFFFFFFF;
	(pc) =	sbr.abs _section_cstart, $3  }
0xc7: {  	[dreg:$0x1] =	wrdreg $0xFFFFFFFF  }
0xc8: {  	_ =	task.clear_ibuf [dreg:s8], $0x2FFFF;
	_ =	strace $0x9FFFFFFF  }
0xc9: {  	(tm) =	ssettm $0x7FFFFFFF  }
tec
execute0_lowered:
.L_overlay_start_1:
0x0: {  	(tag) =	ssettag $0x1  }
0x1: {  	s1 =	srdreg.scid;
	s0 =	stileid.u32  }
0x2: {  	s1 =	sand.u32 $0x1, s1;
	s3 =	sshll.u32 s0, $0x1  }
0x3: {  	s2 =	rddreg [dreg:$0x0];
	s23 =	sor.u32 s1, s3  }
0x4: {  	s4 =	rddreg [dreg:$0x1];
	s5 =	smul.u32 $0x90, s23  }
0x5: {  	s24 =	rddreg [dreg:$0x2]  }
0x6: {  	s6 =	sadd.s32 $0x1600, s4;
	s3 =	simm.s32 $0x0;
	s7 =	sshrl.u32 s5, $0x3  }
0x7: {  	[smem:$0x7FF] =	sst s3;
	s8 =	sadd.s32 s6, s7  }
0x8: {  	_ =	strace $0x80000047;
	s22 =	sadd.s32 $0x48, s5;
	[dreg:$0x4] =	wrdreg s8  }
0x9: {  	s9 =	sshrl.u32 s22, $0x3;
	s8 =	rddreg [dreg:$0x4]  }
0xa: {  	[tilespmem:s3], [sflag:$0x1] =	stream.linear.gather [hbm4b:s8+s3], $0x48, $0x38;
	[tilespmem:$0x9200] =	vst v63  }
0xb: {  	s26 =	sadd.s32 $0x1A00, s4;
	s5 =	simm.s32 $0x80;
	s4 =	sadd.s32 s6, s9  }
0xc: {  	[tilespmem:s5], [sflag:$0x2] =	stream.linear.gather [hbm4b:s4+s3], $0x48, $0x38;
	[tilespmem:$0x9200] =	vst v63  }
0xd: {  	s6 =	sadd.s32 s26, s7;
	s7 =	simm.s32 $0x100  }
0xe: {  	[tilespmem:s7], [sflag:$0x3] =	stream.linear.gather [hbm4b:s6+s3], $0x48, $0x38;
	[tilespmem:$0x9200] =	vst v63  }
0xf: {  	s10 =	simm.s32 $0x1;
	s8 =	sadd.s32 s26, s9;
	s9 =	simm.s32 $0x180  }
0x10: {  	[tilespmem:s9], [sflag:$0x4] =	stream.linear.gather [hbm4b:s8+s3], $0x48, $0x38;
	[tilespmem:$0x9200] =	vst v63  }
0x11: {  	_ =	swait.ge [sflag:s10], $0x48  }
0x12: {  	s11 =	simm.s32 $0x48;
	[sflag:s10] =	ssyncset.done $0x0  }
0x13: {  	s12 =	simm.s32 $0x200;
	s13 =	simm.s32 $0x2;
	[sflag:s10] =	ssyncadd.s32 $0xFFFFFFB8  }
0x14: {  	[tilespmem:s12], [sflag:$0x5] =	stream.indirect.gather [hbm4b:s2+s11], $0x80, s3, s11, $0xb8;
	[tilespmem:$0x9200] =	vst v63  }
0x15: {  	_ =	swait.ge [sflag:s13], $0x48  }
0x16: {  	[sflag:s13] =	ssyncset.done $0x0  }
0x17: {  	s14 =	simm.s32 $0x2600;
	s15 =	simm.s32 $0x3;
	[sflag:s13] =	ssyncadd.s32 $0xFFFFFFB8  }
0x18: {  	[tilespmem:s14], [sflag:$0x6] =	stream.indirect.gather [hbm4b:s2+s11], $0x80, s5, s11, $0xb8;
	[tilespmem:$0x9200] =	vst v63  }
0x19: {  	_ =	swait.ge [sflag:s15], $0x48  }
0x1a: {  	[sflag:s15] =	ssyncset.done $0x0  }
0x1b: {  	s16 =	simm.s32 $0x4A00;
	s17 =	simm.s32 $0x4;
	[sflag:s15] =	ssyncadd.s32 $0xFFFFFFB8  }
0x1c: {  	[tilespmem:s16], [sflag:$0x7] =	stream.indirect.gather [hbm4b:s2+s11], $0x80, s7, s11, $0xb8;
	[tilespmem:$0x9200] =	vst v63  }
0x1d: {  	_ =	swait.ge [sflag:s17], $0x48  }
0x1e: {  	[sflag:s17] =	ssyncset.done $0x0  }
0x1f: {  	s18 =	simm.s32 $0x6E00;
	s19 =	simm.s32 $0x5;
	[sflag:s17] =	ssyncadd.s32 $0xFFFFFFB8  }
0x20: {  	[tilespmem:s18], [sflag:$0x8] =	stream.indirect.gather [hbm4b:s2+s11], $0x80, s9, s11, $0xb8;
	[tilespmem:$0x9200] =	vst v63  }
0x21: {  	s20 =	smul.u32 $0x900, s23;
	_ =	swait.ge [sflag:s19], $0x2400  }
0x22: {  	[sflag:s19] =	ssyncset.done $0x0  }
0x23: {  	s21 =	simm.s32 $0x6;
	s20 =	sadd.s32 s24, s20;
	[sflag:s19] =	ssyncadd.s32 $0xFFFFDC00  }
0x24: {  	[hbm4b:s20+s3] =	stream.linear.scatter [tilespmem:s12], [sflag:$0x9], $0x2400, $0x38;
	[tilespmem:$0x9200] =	vst v63  }
0x25: {  	_ =	swait.ge [sflag:s21], $0x2400  }
0x26: {  	s25 =	smul.u32 $0x4800, s23;
	s22 =	sshll.u32 s22, $0x4;
	[sflag:s21] =	ssyncset.done $0x0  }
0x27: {  	s23 =	simm.s32 $0x7;
	s22 =	sadd.s32 s24, s22;
	[sflag:s21] =	ssyncadd.s32 $0xFFFFDC00  }
0x28: {  	[hbm4b:s22+s3] =	stream.linear.scatter [tilespmem:s14], [sflag:$0xA], $0x2400, $0x38;
	[tilespmem:$0x9200] =	vst v63  }
0x29: {  	s25 =	sshrl.u32 s25, $0x3;
	_ =	swait.ge [sflag:s23], $0x2400  }
0x2a: {  	s26 =	sadd.s32 s24, s25;
	[sflag:s23] =	ssyncset.done $0x0  }
0x2b: {  	s25 =	simm.s32 $0x8;
	s24 =	sadd.s32 $0x12000, s26;
	[sflag:s23] =	ssyncadd.s32 $0xFFFFDC00  }
0x2c: {  	[hbm4b:s24+s3] =	stream.linear.scatter [tilespmem:s16], [sflag:$0xB], $0x2400, $0x38;
	[tilespmem:$0x9200] =	vst v63  }
0x2d: {  	_ =	swait.ge [sflag:s25], $0x2400  }
0x2e: {  	[sflag:s25] =	ssyncset.done $0x0  }
0x2f: {  	s28 =	simm.s32 $0x9;
	s26 =	sadd.s32 $0x12480, s26;
	[sflag:s25] =	ssyncadd.s32 $0xFFFFDC00  }
0x30: {  	[hbm4b:s26+s3] =	stream.linear.scatter [tilespmem:s18], [sflag:$0xC], $0x2400, $0x38;
	[tilespmem:$0x9200] =	vst v63  }
0x31: {  	s1 =	ssub.s32 $0x2, s1;
	_ =	swait.ge [sflag:s28], $0x2400  }
0x32: {  	s31 =	sshrl.u32 s1, $0x1;
	[sflag:s28] =	ssyncset.done $0x0  }
0x33: {  	s29 =	simm.s32 $0xA;
	s1 =	ssub.s32 s1, s31;
	[sflag:s28] =	ssyncadd.s32 $0xFFFFDC00  }
0x34: {  	s1 =	smax.u32 s1, $0x1;
	_ =	swait.ge [sflag:s29], $0x2400  }
0x35: {  	p0 =	sne.s32 s1, $0x1;
	[sflag:s29] =	ssyncset.done $0x0  }
.Ltmp0:
0x36: {  	s30 =	simm.s32 $0xB;
	[sflag:s29] =	ssyncadd.s32 $0xFFFFDC00;
	(pc) =	sbr.rel @!p0 .LBB2_2-.Ltmp0, $4  }
0x37: {  	_ =	swait.ge [sflag:s30], $0x2400  }
0x38: {  	[sflag:s30] =	ssyncset.done $0x0  }
0x39: {  	s31 =	simm.s32 $0xC;
	[sflag:s30] =	ssyncadd.s32 $0xFFFFDC00  }
0x3a: {  	s1 =	sadd.s32 $0xFFFFFFFF, s1;
	_ =	swait.ge [sflag:s31], $0x2400  }
.LBB2_1:
0x3b: {  	[sflag:s31] =	ssyncset.done $0x0  }
0x3c: {  	s0 =	rddreg [dreg:$0x4];
	[sflag:s31] =	ssyncadd.s32 $0xFFFFDC00  }
0x3d: {  	[tilespmem:s3], [sflag:$0x1] =	stream.linear.gather [hbm4b:s0+s3], $0x48, $0x38;
	[tilespmem:$0x9200] =	vst v63  }
0x3e: {  	_ = 	snop  }
0x3f: {  	[tilespmem:s5], [sflag:$0x2] =	stream.linear.gather [hbm4b:s4+s3], $0x48, $0x38;
	[tilespmem:$0x9200] =	vst v63  }
0x40: {  	_ = 	snop  }
0x41: {  	[tilespmem:s7], [sflag:$0x3] =	stream.linear.gather [hbm4b:s6+s3], $0x48, $0x38;
	[tilespmem:$0x9200] =	vst v63  }
0x42: {  	_ = 	snop  }
0x43: {  	[tilespmem:s9], [sflag:$0x4] =	stream.linear.gather [hbm4b:s8+s3], $0x48, $0x38;
	[tilespmem:$0x9200] =	vst v63  }
0x44: {  	_ =	swait.ge [sflag:s10], $0x48  }
0x45: {  	[sflag:s10] =	ssyncset.done $0x0  }
0x46: {  	[sflag:s10] =	ssyncadd.s32 $0xFFFFFFB8  }
0x47: {  	[tilespmem:s12], [sflag:$0x5] =	stream.indirect.gather [hbm4b:s2+s11], $0x80, s3, s11, $0xb8;
	[tilespmem:$0x9200] =	vst v63  }
0x48: {  	_ =	swait.ge [sflag:s13], $0x48  }
0x49: {  	[sflag:s13] =	ssyncset.done $0x0  }
0x4a: {  	[sflag:s13] =	ssyncadd.s32 $0xFFFFFFB8  }
0x4b: {  	[tilespmem:s14], [sflag:$0x6] =	stream.indirect.gather [hbm4b:s2+s11], $0x80, s5, s11, $0xb8;
	[tilespmem:$0x9200] =	vst v63  }
0x4c: {  	_ =	swait.ge [sflag:s15], $0x48  }
0x4d: {  	[sflag:s15] =	ssyncset.done $0x0  }
0x4e: {  	[sflag:s15] =	ssyncadd.s32 $0xFFFFFFB8  }
0x4f: {  	[tilespmem:s16], [sflag:$0x7] =	stream.indirect.gather [hbm4b:s2+s11], $0x80, s7, s11, $0xb8;
	[tilespmem:$0x9200] =	vst v63  }
0x50: {  	_ =	swait.ge [sflag:s17], $0x48  }
0x51: {  	[sflag:s17] =	ssyncset.done $0x0  }
0x52: {  	[sflag:s17] =	ssyncadd.s32 $0xFFFFFFB8  }
0x53: {  	[tilespmem:s18], [sflag:$0x8] =	stream.indirect.gather [hbm4b:s2+s11], $0x80, s9, s11, $0xb8;
	[tilespmem:$0x9200] =	vst v63  }
0x54: {  	_ =	swait.ge [sflag:s19], $0x2400  }
0x55: {  	[sflag:s19] =	ssyncset.done $0x0  }
0x56: {  	[sflag:s19] =	ssyncadd.s32 $0xFFFFDC00  }
0x57: {  	[hbm4b:s20+s3] =	stream.linear.scatter [tilespmem:s12], [sflag:$0x9], $0x2400, $0x38;
	[tilespmem:$0x9200] =	vst v63  }
0x58: {  	_ =	swait.ge [sflag:s21], $0x2400  }
0x59: {  	[sflag:s21] =	ssyncset.done $0x0  }
0x5a: {  	[sflag:s21] =	ssyncadd.s32 $0xFFFFDC00  }
0x5b: {  	[hbm4b:s22+s3] =	stream.linear.scatter [tilespmem:s14], [sflag:$0xA], $0x2400, $0x38;
	[tilespmem:$0x9200] =	vst v63  }
0x5c: {  	_ =	swait.ge [sflag:s23], $0x2400  }
0x5d: {  	[sflag:s23] =	ssyncset.done $0x0  }
0x5e: {  	[sflag:s23] =	ssyncadd.s32 $0xFFFFDC00  }
0x5f: {  	[hbm4b:s24+s3] =	stream.linear.scatter [tilespmem:s16], [sflag:$0xB], $0x2400, $0x38;
	[tilespmem:$0x9200] =	vst v63  }
0x60: {  	_ =	swait.ge [sflag:s25], $0x2400  }
0x61: {  	[sflag:s25] =	ssyncset.done $0x0  }
0x62: {  	[sflag:s25] =	ssyncadd.s32 $0xFFFFDC00  }
0x63: {  	[hbm4b:s26+s3] =	stream.linear.scatter [tilespmem:s18], [sflag:$0xC], $0x2400, $0x38;
	[tilespmem:$0x9200] =	vst v63  }
0x64: {  	_ =	swait.ge [sflag:s28], $0x2400  }
0x65: {  	[sflag:s28] =	ssyncset.done $0x0  }
0x66: {  	[sflag:s28] =	ssyncadd.s32 $0xFFFFDC00  }
0x67: {  	_ =	swait.ge [sflag:s29], $0x2400  }
0x68: {  	p0 =	sne.s32 s1, $0x1;
	[sflag:s29] =	ssyncset.done $0x0  }
.Ltmp1:
0x69: {  	[sflag:s29] =	ssyncadd.s32 $0xFFFFDC00;
	(pc) =	sbr.rel @p0 .LBB2_1-.Ltmp1, $4  }
0x6a: {  	_ =	swait.ge [sflag:s30], $0x2400  }
0x6b: {  	[sflag:s30] =	ssyncset.done $0x0  }
0x6c: {  	[sflag:s30] =	ssyncadd.s32 $0xFFFFDC00  }
0x6d: {  	s1 =	sadd.s32 $0xFFFFFFFF, s1;
	_ =	swait.ge [sflag:s31], $0x2400  }
.LBB2_2:
0x6e: {  	[sflag:s31] =	ssyncset.done $0x0  }
0x6f: {  	[sflag:s31] =	ssyncadd.s32 $0xFFFFDC00  }
0x70: {  	_ =	sfence.sel $0x180000  }
0x71: {  	[bflag:$0x0] =	sbarrier.arrive $0xFFFF  }
0x72: {  	_ =	strace $0x90000047  }
0x73: {  	s0 =	stileid.u32;
	[bflag:$0x2] =	sbarrier.arrive $0xFFFF  }
0x74: {  	p0 =	sne.s32 s0, $0x0;
	s0 =	rddreg [dreg:$0x3]  }
0x75: {  	s0 =	sadd.s32 @!p0 $0x100000, s0  }
0x76: {  	[sflag:s0] =	ssyncadd.tile.s32 @!p0 $0x1;
	_ =	shalt  }
.Lfunc_end2:
_tile_overlayer_lowered:
.L_overlay_start_2:
0x77: {  	(tag) =	ssettag $0x2  }
0x78: {  	s0 =	rddreg [dreg:$0x0];
	s2 =	stileid.u32  }
0x79: {  	s1 =	rddreg [dreg:$0x1];
	p0 =	sne.s32 s2, $0x0  }
0x7a: {  	s3 =	rddreg [dreg:$0x2];
	[bflag:$0x3] =	sbarrier.arrive $0xFFFF;
	s2 =	simm.s32 @!p0 $0x1C0D  }
0x7b: {  	[timem:s3], [sflag:s2] =	dma.local @!p0 [hbm:s0], s1  }
0x7c: {  	s0 =	simm.s32 @!p0 $0xD  }
0x7d: {  	_ =	swait.ge @!p0 [sflag:s0], s1  }
0x7e: {  	s1 =	ssub.s32 @!p0 $0x0, s1;
	[sflag:s0] =	ssyncset.done @!p0 $0x0  }
0x7f: {  	[sflag:s0] =	ssyncadd.s32 @!p0 s1  }
0x80: {  	[bflag:$0x3] =	sbarrier.arrive $0xFFFF  }
0x81: {  	_ =	shalt  }

</sc_bundles>
